<compile_context>
chip_gen: v7x
topology: tpu7x:2x2x1
jax: 0.10.2.dev20260603
libtpu: 0.0.44.dev20260713+nightly
codegen_flags: <defaults>
</compile_context>

<pallas_src>
import functools

import jax
import jax.numpy as jnp
from jax import lax
from jax.experimental import pallas as pl
from jax.experimental.pallas import tpu as pltpu
from jax.experimental.pallas import tpu_sc as plsc


def _sc_colsum(x2, H, W):
    R, N = x2.shape
    info = plsc.get_sparse_core_info()
    NC, NS, L = info.num_cores, info.num_subcores, info.num_lanes
    NW = NC * NS
    per_w = R // NW
    NV = N // L

    mesh = plsc.VectorSubcoreMesh(core_axis_name="c", subcore_axis_name="s")

    @functools.partial(
        pl.kernel,
        mesh=mesh,
        out_type=jax.ShapeDtypeStruct((R, N), jnp.float32),
        scratch_types=[
            pltpu.VMEM((N,), jnp.float32),
            pltpu.VMEM((N,), jnp.float32),
        ],
    )
    def sc_kernel(x_hbm, out_hbm, img, cs):
        wid = lax.axis_index("s") * NC + lax.axis_index("c")

        for k in range(per_w):
            row = wid * per_w + k
            pltpu.sync_copy(x_hbm.at[row], img)

            def col_body(i, _):
                base = i * L
                r = base // W
                up = jnp.where(r == 0, base, base - W)
                dn = jnp.where(r == H - 1, base, base + W)
                cs[pl.ds(base, L)] = (
                    img[pl.ds(up, L)]
                    + img[pl.ds(base, L)]
                    + img[pl.ds(dn, L)]
                )
                return 0

            lax.fori_loop(0, NV, col_body, 0)
            pltpu.sync_copy(cs, out_hbm.at[row])

    return sc_kernel(x2)


def _tc_kernel(x_ref, cs_ref, w_ref, b_ref, out_ref, *, W):
    xb = x_ref[0]
    colsum = cs_ref[0]
    NB = xb.shape[1]

    wpos = jax.lax.broadcasted_iota(jnp.int32, (1, NB), 1) % W
    left = jnp.concatenate([colsum[:, :1], colsum[:, :-1]], axis=1)
    left = jnp.where(wpos == 0, colsum, left)
    right = jnp.concatenate([colsum[:, 1:], colsum[:, -1:]], axis=1)
    right = jnp.where(wpos == W - 1, colsum, right)
    mean = (left + colsum + right - xb) * 0.125

    agg = jnp.concatenate([xb, mean], axis=0)
    y = jnp.dot(w_ref[...], agg, preferred_element_type=jnp.float32)
    out_ref[0] = jnp.maximum(y + b_ref[...], 0.0) + xb


def kernel(x, W_proj, b_proj):
    B, C, H, W = x.shape
    N = H * W
    HB = 28
    nbands = H // HB
    NB = HB * W

    xr = x.reshape(B * C, N)
    colsum = _sc_colsum(xr, H, W).reshape(B, C, N)
    x2 = x.reshape(B, C, N)
    b2 = b_proj.reshape(C, 1)

    grid = (B, nbands)
    out = pl.pallas_call(
        functools.partial(_tc_kernel, W=W),
        grid=grid,
        in_specs=[
            pl.BlockSpec((1, C, NB), lambda b, h: (b, 0, h)),
            pl.BlockSpec((1, C, NB), lambda b, h: (b, 0, h)),
            pl.BlockSpec((C, 2 * C), lambda b, h: (0, 0)),
            pl.BlockSpec((C, 1), lambda b, h: (0, 0)),
        ],
        out_specs=pl.BlockSpec((1, C, NB), lambda b, h: (b, 0, h)),
        out_shape=jax.ShapeDtypeStruct((B, C, N), jnp.float32),
        compiler_params=pltpu.CompilerParams(
            dimension_semantics=("parallel", "arbitrary"),
        ),
    )(x2, colsum, W_proj, b2)
    return out.reshape(B, C, H, W)

# --- scband reference (transcript-rebuilt; emitter-appended) ---
"""Pipeline reference for scband-static-graph-module-53790170415315 (READ-ONLY COPY).

The authoritative reference and input builder live on the scoring server;
editing this copy changes nothing except your own understanding.
"""

import jax, jax.numpy as jnp
import numpy as np


def _build_grid_neighbors(H, W):
    ys, xs = np.meshgrid(np.arange(H), np.arange(W), indexing='ij')
    node_idx = ys * W + xs
    offsets = [(-1, 0), (1, 0), (0, -1), (0, 1), (-1, -1), (-1, 1), (1, -1), (1, 1)]
    neighbors = []
    for dy, dx in offsets:
        ny = np.clip(ys + dy, 0, H - 1)
        nx = np.clip(xs + dx, 0, W - 1)
        neighbors.append(node_idx[ny, nx].reshape(-1))
    return jnp.asarray(np.stack(neighbors, axis=1), dtype=jnp.int32)  # (N, 8)


def setup_inputs(seed: int = 0) -> dict:
    key = jax.random.key(seed)
    k1, k2 = jax.random.split(key)
    B, C, H, W = 2, 128, 224, 224
    x = jax.random.normal(k1, (B, C, H, W), dtype=jnp.float32)
    # nn.Linear(2*C, C): weight (out=C, in=2C), bias (C,)
    W_proj = jax.random.normal(k2, (C, 2 * C), dtype=jnp.float32) * (1.0 / np.sqrt(2 * C))
    b_proj = jnp.zeros((C,), dtype=jnp.float32)
    return {"x": x, "W_proj": W_proj, "b_proj": b_proj}


def reference(x, W_proj, b_proj):
    B, C, H, W = x.shape
    N = H * W
    x_nodes = jnp.transpose(x, (0, 2, 3, 1)).reshape(B, N, C)
    neighbor_idx = _build_grid_neighbors(H, W)  # (N, K=8)
    # gather neighbor features: (B, N, K, C)
    x_neighbors = jnp.take(x_nodes, neighbor_idx, axis=1)
    neighbor_mean = x_neighbors.mean(axis=2)  # (B, N, C)
    agg = jnp.concatenate([x_nodes, neighbor_mean], axis=-1)  # (B, N, 2C)
    x_out = agg @ W_proj.T + b_proj
    x_out = jnp.maximum(x_out, 0.0)
    x_out = x_out + x_nodes
    x_out = jnp.transpose(x_out, (0, 2, 1)).reshape(B, C, H, W)
    return x_out

if __name__ == "__main__":
    import jax
    _d = setup_inputs()
    print(jax.jit(kernel)(*tuple(_d.values())))

</pallas_src>

<mosaic_0001>
#map = affine_map<(d0, d1) -> (0, 0)>
module attributes {stable_mosaic.version = 14 : i64} {
  func.func @sc_kernel(%arg0: i32, %arg1: i32, %arg2: memref<256x50176xf32, #tpu.memory_space<hbm>>, %arg3: memref<256x50176xf32, #tpu.memory_space<hbm>>, %arg4: memref<50176xf32, #tpu.memory_space<vmem>>, %arg5: memref<50176xf32, #tpu.memory_space<vmem>>) attributes {dimension_semantics = [#tpu.dimension_semantics<core_parallel>, #tpu.dimension_semantics<subcore_parallel>], iteration_bounds = array<i64: 2, 16>, scalar_prefetch = 0 : i64, scratch_operands = 2 : i64, tpu.core_type = #tpu.core_type<sc_vector_subcore>, window_params = [{transform_indices = #map}, {transform_indices = #map}]} {
    %mul3A = arith.constant 2 : i32
    %mul3A_0 = arith.muli %arg1, %mul3A : i32
    %add3A = arith.addi %mul3A_0, %arg0 : i32
    %mul3A_1 = arith.constant 8 : i32
    %mul3A_2 = arith.muli %add3A, %mul3A_1 : i32
    %add3A_3 = arith.constant 0 : i32
    %add3A_4 = arith.addi %mul3A_2, %add3A_3 : i32
    "tpu.region"() ({
      %run_scoped3A = tpu.sem_alloc : memref<!tpu.dma_semaphore, #tpu.memory_space<semaphore_mem>>
      %dma_start3A = arith.constant 0 : i32
      %dma_start3A_88 = tpu.memref_slice %arg2[%add3A_4, %dma_start3A] : memref<256x50176xf32, #tpu.memory_space<hbm>> -> memref<1x50176xf32, #tpu.memory_space<hbm>>
      %dma_start3A_89 = tpu.memref_squeeze %dma_start3A_88 : memref<1x50176xf32, #tpu.memory_space<hbm>> -> memref<50176xf32, #tpu.memory_space<hbm>>
      %dma_start3A_90 = arith.constant 0 : i32
      %dma_start3A_91 = tpu.memref_slice %arg2[%add3A_4, %dma_start3A_90] : memref<256x50176xf32, #tpu.memory_space<hbm>> -> memref<1x50176xf32, #tpu.memory_space<hbm>>
      %dma_start3A_92 = tpu.memref_squeeze %dma_start3A_91 : memref<1x50176xf32, #tpu.memory_space<hbm>> -> memref<50176xf32, #tpu.memory_space<hbm>>
      tpu.enqueue_dma source(%dma_start3A_92 : memref<50176xf32, #tpu.memory_space<hbm>>) target(%arg4 : memref<50176xf32, #tpu.memory_space<vmem>>) target_semaphore(%run_scoped3A : memref<!tpu.dma_semaphore, #tpu.memory_space<semaphore_mem>>)
      %dma_wait3A = arith.constant 0 : i32
      %dma_wait3A_93 = tpu.memref_slice %arg2[%add3A_4, %dma_wait3A] : memref<256x50176xf32, #tpu.memory_space<hbm>> -> memref<1x50176xf32, #tpu.memory_space<hbm>>
      %dma_wait3A_94 = tpu.memref_squeeze %dma_wait3A_93 : memref<1x50176xf32, #tpu.memory_space<hbm>> -> memref<50176xf32, #tpu.memory_space<hbm>>
      %dma_wait3A_95 = arith.constant 0 : i32
      %dma_wait3A_96 = tpu.memref_slice %arg2[%add3A_4, %dma_wait3A_95] : memref<256x50176xf32, #tpu.memory_space<hbm>> -> memref<1x50176xf32, #tpu.memory_space<hbm>>
      %dma_wait3A_97 = tpu.memref_squeeze %dma_wait3A_96 : memref<1x50176xf32, #tpu.memory_space<hbm>> -> memref<50176xf32, #tpu.memory_space<hbm>>
      tpu.wait_dma2 semaphore(%run_scoped3A : memref<!tpu.dma_semaphore, #tpu.memory_space<semaphore_mem>>) src(%dma_wait3A_97 : memref<50176xf32, #tpu.memory_space<hbm>>) dst(%arg4 : memref<50176xf32, #tpu.memory_space<vmem>>)
      tpu.yield
    }) : () -> ()
    %scan3A = arith.constant 0 : i32
    %scan3A_5 = arith.constant 0 : i32
    %scan3A_6 = arith.constant 3136 : i32
    %scan3A_7 = arith.addi %scan3A_5, %scan3A_6 : i32
    %scan3A_8 = arith.constant 1 : i32
    %scan3A_9 = scf.for %scan3A_88 = %scan3A_5 to %scan3A_7 step %scan3A_8 iter_args(%scan3A_89 = %scan3A) -> (i32)  : i32 {
      %mul3A_90 = arith.constant 16 : i32
      %mul3A_91 = arith.muli %scan3A_88, %mul3A_90 : i32
      %jit3A = arith.constant 224 : i32
      %div3A = arith.divsi %mul3A_91, %jit3A : i32
      %sign3A = arith.constant 0 : i32
      %sign3A_92 = arith.cmpi sgt, %mul3A_91, %sign3A : i32
      %sign3A_93 = arith.extui %sign3A_92 : i1 to i32
      %sign3A_94 = arith.constant 0 : i32
      %sign3A_95 = arith.cmpi slt, %mul3A_91, %sign3A_94 : i32
      %sign3A_96 = arith.extui %sign3A_95 : i1 to i32
      %sign3A_97 = arith.subi %sign3A_93, %sign3A_96 : i32
      %sign3A_98 = arith.constant 0 : i32
      %sign3A_99 = arith.cmpi sgt, %jit3A, %sign3A_98 : i32
      %sign3A_100 = arith.extui %sign3A_99 : i1 to i32
      %sign3A_101 = arith.constant 0 : i32
      %sign3A_102 = arith.cmpi slt, %jit3A, %sign3A_101 : i32
      %sign3A_103 = arith.extui %sign3A_102 : i1 to i32
      %sign3A_104 = arith.subi %sign3A_100, %sign3A_103 : i32
      %ne3A = arith.cmpi ne, %sign3A_97, %sign3A_104 : i32
      %rem3A = arith.remsi %mul3A_91, %jit3A : i32
      %ne3A_105 = arith.constant 0 : i32
      %ne3A_106 = arith.cmpi ne, %rem3A, %ne3A_105 : i32
      %and3A = arith.andi %ne3A, %ne3A_106 : i1
      %sub3A = arith.constant 1 : i32
      %sub3A_107 = arith.subi %div3A, %sub3A : i32
      %select_n3A = arith.select %and3A, %sub3A_107, %div3A : i32
      %eq3A = arith.constant 0 : i32
      %eq3A_108 = arith.cmpi eq, %select_n3A, %eq3A : i32
      %sub3A_109 = arith.constant 224 : i32
      %sub3A_110 = arith.subi %mul3A_91, %sub3A_109 : i32
      %select_n3A_111 = arith.select %eq3A_108, %mul3A_91, %sub3A_110 : i32
      %eq3A_112 = arith.constant 223 : i32
      %eq3A_113 = arith.cmpi eq, %select_n3A, %eq3A_112 : i32
      %add3A_114 = arith.constant 224 : i32
      %add3A_115 = arith.addi %mul3A_91, %add3A_114 : i32
      %select_n3A_116 = arith.select %eq3A_113, %mul3A_91, %add3A_115 : i32
      %get3A = arith.index_cast %select_n3A_111 : i32 to index
      %get3A_117 = tpu.vector_load %arg4[%get3A] {strides = array<i32>} : memref<50176xf32, #tpu.memory_space<vmem>>, vector<16xf32>,
      %get3A_118 = vector.shape_cast %get3A_117 : vector<16xf32> to vector<16xf32>
      %get3A_119 = arith.index_cast %mul3A_91 : i32 to index
      %get3A_120 = tpu.vector_load %arg4[%get3A_119] {strides = array<i32>} : memref<50176xf32, #tpu.memory_space<vmem>>, vector<16xf32>,
      %get3A_121 = vector.shape_cast %get3A_120 : vector<16xf32> to vector<16xf32>
      %add3A_122 = arith.addf %get3A_118, %get3A_121 : vector<16xf32>
      %get3A_123 = arith.index_cast %select_n3A_116 : i32 to index
      %get3A_124 = tpu.vector_load %arg4[%get3A_123] {strides = array<i32>} : memref<50176xf32, #tpu.memory_space<vmem>>, vector<16xf32>,
      %get3A_125 = vector.shape_cast %get3A_124 : vector<16xf32> to vector<16xf32>
      %add3A_126 = arith.addf %add3A_122, %get3A_125 : vector<16xf32>
      %swap3A = arith.index_cast %mul3A_91 : i32 to index
      %swap3A_127 = tpu.vector_load %arg5[%swap3A] {strides = array<i32>} : memref<50176xf32, #tpu.memory_space<vmem>>, vector<16xf32>,
      %swap3A_128 = vector.shape_cast %swap3A_127 : vector<16xf32> to vector<16xf32>
      %swap3A_129 = vector.shape_cast %add3A_126 : vector<16xf32> to vector<16xf32>
      tpu.vector_store %arg5[%swap3A], %swap3A_129 {strides = array<i32>} : memref<50176xf32, #tpu.memory_space<vmem>>, vector<16xf32>,
      %scan3A_130 = arith.constant 0 : i32
      scf.yield %scan3A_130 : i32
    }
    %scan3A_10 = arith.constant 3136 : i32
    "tpu.region"() ({
      %run_scoped3A = tpu.sem_alloc : memref<!tpu.dma_semaphore, #tpu.memory_space<semaphore_mem>>
      %dma_start3A = arith.constant 0 : i32
      %dma_start3A_88 = tpu.memref_slice %arg3[%add3A_4, %dma_start3A] : memref<256x50176xf32, #tpu.memory_space<hbm>> -> memref<1x50176xf32, #tpu.memory_space<hbm>>
      %dma_start3A_89 = tpu.memref_squeeze %dma_start3A_88 : memref<1x50176xf32, #tpu.memory_space<hbm>> -> memref<50176xf32, #tpu.memory_space<hbm>>
      %dma_start3A_90 = arith.constant 0 : i32
      %dma_start3A_91 = tpu.memref_slice %arg3[%add3A_4, %dma_start3A_90] : memref<256x50176xf32, #tpu.memory_space<hbm>> -> memref<1x50176xf32, #tpu.memory_space<hbm>>
      %dma_start3A_92 = tpu.memref_squeeze %dma_start3A_91 : memref<1x50176xf32, #tpu.memory_space<hbm>> -> memref<50176xf32, #tpu.memory_space<hbm>>
      tpu.enqueue_dma source(%arg5 : memref<50176xf32, #tpu.memory_space<vmem>>) target(%dma_start3A_92 : memref<50176xf32, #tpu.memory_space<hbm>>) target_semaphore(%run_scoped3A : memref<!tpu.dma_semaphore, #tpu.memory_space<semaphore_mem>>)
      %dma_wait3A = arith.constant 0 : i32
      %dma_wait3A_93 = tpu.memref_slice %arg3[%add3A_4, %dma_wait3A] : memref<256x50176xf32, #tpu.memory_space<hbm>> -> memref<1x50176xf32, #tpu.memory_space<hbm>>
      %dma_wait3A_94 = tpu.memref_squeeze %dma_wait3A_93 : memref<1x50176xf32, #tpu.memory_space<hbm>> -> memref<50176xf32, #tpu.memory_space<hbm>>
      %dma_wait3A_95 = arith.constant 0 : i32
      %dma_wait3A_96 = tpu.memref_slice %arg3[%add3A_4, %dma_wait3A_95] : memref<256x50176xf32, #tpu.memory_space<hbm>> -> memref<1x50176xf32, #tpu.memory_space<hbm>>
      %dma_wait3A_97 = tpu.memref_squeeze %dma_wait3A_96 : memref<1x50176xf32, #tpu.memory_space<hbm>> -> memref<50176xf32, #tpu.memory_space<hbm>>
      tpu.wait_dma2 semaphore(%run_scoped3A : memref<!tpu.dma_semaphore, #tpu.memory_space<semaphore_mem>>) src(%arg5 : memref<50176xf32, #tpu.memory_space<vmem>>) dst(%dma_wait3A_97 : memref<50176xf32, #tpu.memory_space<hbm>>)
      tpu.yield
    }) : () -> ()
    %mul3A_11 = arith.constant 8 : i32
    %mul3A_12 = arith.muli %add3A, %mul3A_11 : i32
    %add3A_13 = arith.constant 1 : i32
    %add3A_14 = arith.addi %mul3A_12, %add3A_13 : i32
    "tpu.region"() ({
      %run_scoped3A = tpu.sem_alloc : memref<!tpu.dma_semaphore, #tpu.memory_space<semaphore_mem>>
      %dma_start3A = arith.constant 0 : i32
      %dma_start3A_88 = tpu.memref_slice %arg2[%add3A_14, %dma_start3A] : memref<256x50176xf32, #tpu.memory_space<hbm>> -> memref<1x50176xf32, #tpu.memory_space<hbm>>
      %dma_start3A_89 = tpu.memref_squeeze %dma_start3A_88 : memref<1x50176xf32, #tpu.memory_space<hbm>> -> memref<50176xf32, #tpu.memory_space<hbm>>
      %dma_start3A_90 = arith.constant 0 : i32
      %dma_start3A_91 = tpu.memref_slice %arg2[%add3A_14, %dma_start3A_90] : memref<256x50176xf32, #tpu.memory_space<hbm>> -> memref<1x50176xf32, #tpu.memory_space<hbm>>
      %dma_start3A_92 = tpu.memref_squeeze %dma_start3A_91 : memref<1x50176xf32, #tpu.memory_space<hbm>> -> memref<50176xf32, #tpu.memory_space<hbm>>
      tpu.enqueue_dma source(%dma_start3A_92 : memref<50176xf32, #tpu.memory_space<hbm>>) target(%arg4 : memref<50176xf32, #tpu.memory_space<vmem>>) target_semaphore(%run_scoped3A : memref<!tpu.dma_semaphore, #tpu.memory_space<semaphore_mem>>)
      %dma_wait3A = arith.constant 0 : i32
      %dma_wait3A_93 = tpu.memref_slice %arg2[%add3A_14, %dma_wait3A] : memref<256x50176xf32, #tpu.memory_space<hbm>> -> memref<1x50176xf32, #tpu.memory_space<hbm>>
      %dma_wait3A_94 = tpu.memref_squeeze %dma_wait3A_93 : memref<1x50176xf32, #tpu.memory_space<hbm>> -> memref<50176xf32, #tpu.memory_space<hbm>>
      %dma_wait3A_95 = arith.constant 0 : i32
      %dma_wait3A_96 = tpu.memref_slice %arg2[%add3A_14, %dma_wait3A_95] : memref<256x50176xf32, #tpu.memory_space<hbm>> -> memref<1x50176xf32, #tpu.memory_space<hbm>>
      %dma_wait3A_97 = tpu.memref_squeeze %dma_wait3A_96 : memref<1x50176xf32, #tpu.memory_space<hbm>> -> memref<50176xf32, #tpu.memory_space<hbm>>
      tpu.wait_dma2 semaphore(%run_scoped3A : memref<!tpu.dma_semaphore, #tpu.memory_space<semaphore_mem>>) src(%dma_wait3A_97 : memref<50176xf32, #tpu.memory_space<hbm>>) dst(%arg4 : memref<50176xf32, #tpu.memory_space<vmem>>)
      tpu.yield
    }) : () -> ()
    %scan3A_15 = arith.constant 0 : i32
    %scan3A_16 = arith.constant 0 : i32
    %scan3A_17 = arith.constant 3136 : i32
    %scan3A_18 = arith.addi %scan3A_16, %scan3A_17 : i32
    %scan3A_19 = arith.constant 1 : i32
    %scan3A_20 = scf.for %scan3A_88 = %scan3A_16 to %scan3A_18 step %scan3A_19 iter_args(%scan3A_89 = %scan3A_15) -> (i32)  : i32 {
      %mul3A_90 = arith.constant 16 : i32
      %mul3A_91 = arith.muli %scan3A_88, %mul3A_90 : i32
      %jit3A = arith.constant 224 : i32
      %div3A = arith.divsi %mul3A_91, %jit3A : i32
      %sign3A = arith.constant 0 : i32
      %sign3A_92 = arith.cmpi sgt, %mul3A_91, %sign3A : i32
      %sign3A_93 = arith.extui %sign3A_92 : i1 to i32
      %sign3A_94 = arith.constant 0 : i32
      %sign3A_95 = arith.cmpi slt, %mul3A_91, %sign3A_94 : i32
      %sign3A_96 = arith.extui %sign3A_95 : i1 to i32
      %sign3A_97 = arith.subi %sign3A_93, %sign3A_96 : i32
      %sign3A_98 = arith.constant 0 : i32
      %sign3A_99 = arith.cmpi sgt, %jit3A, %sign3A_98 : i32
      %sign3A_100 = arith.extui %sign3A_99 : i1 to i32
      %sign3A_101 = arith.constant 0 : i32
      %sign3A_102 = arith.cmpi slt, %jit3A, %sign3A_101 : i32
      %sign3A_103 = arith.extui %sign3A_102 : i1 to i32
      %sign3A_104 = arith.subi %sign3A_100, %sign3A_103 : i32
      %ne3A = arith.cmpi ne, %sign3A_97, %sign3A_104 : i32
      %rem3A = arith.remsi %mul3A_91, %jit3A : i32
      %ne3A_105 = arith.constant 0 : i32
      %ne3A_106 = arith.cmpi ne, %rem3A, %ne3A_105 : i32
      %and3A = arith.andi %ne3A, %ne3A_106 : i1
      %sub3A = arith.constant 1 : i32
      %sub3A_107 = arith.subi %div3A, %sub3A : i32
      %select_n3A = arith.select %and3A, %sub3A_107, %div3A : i32
      %eq3A = arith.constant 0 : i32
      %eq3A_108 = arith.cmpi eq, %select_n3A, %eq3A : i32
      %sub3A_109 = arith.constant 224 : i32
      %sub3A_110 = arith.subi %mul3A_91, %sub3A_109 : i32
      %select_n3A_111 = arith.select %eq3A_108, %mul3A_91, %sub3A_110 : i32
      %eq3A_112 = arith.constant 223 : i32
      %eq3A_113 = arith.cmpi eq, %select_n3A, %eq3A_112 : i32
      %add3A_114 = arith.constant 224 : i32
      %add3A_115 = arith.addi %mul3A_91, %add3A_114 : i32
      %select_n3A_116 = arith.select %eq3A_113, %mul3A_91, %add3A_115 : i32
      %get3A = arith.index_cast %select_n3A_111 : i32 to index
      %get3A_117 = tpu.vector_load %arg4[%get3A] {strides = array<i32>} : memref<50176xf32, #tpu.memory_space<vmem>>, vector<16xf32>,
      %get3A_118 = vector.shape_cast %get3A_117 : vector<16xf32> to vector<16xf32>
      %get3A_119 = arith.index_cast %mul3A_91 : i32 to index
      %get3A_120 = tpu.vector_load %arg4[%get3A_119] {strides = array<i32>} : memref<50176xf32, #tpu.memory_space<vmem>>, vector<16xf32>,
      %get3A_121 = vector.shape_cast %get3A_120 : vector<16xf32> to vector<16xf32>
      %add3A_122 = arith.addf %get3A_118, %get3A_121 : vector<16xf32>
      %get3A_123 = arith.index_cast %select_n3A_116 : i32 to index
      %get3A_124 = tpu.vector_load %arg4[%get3A_123] {strides = array<i32>} : memref<50176xf32, #tpu.memory_space<vmem>>, vector<16xf32>,
      %get3A_125 = vector.shape_cast %get3A_124 : vector<16xf32> to vector<16xf32>
      %add3A_126 = arith.addf %add3A_122, %get3A_125 : vector<16xf32>
      %swap3A = arith.index_cast %mul3A_91 : i32 to index
      %swap3A_127 = tpu.vector_load %arg5[%swap3A] {strides = array<i32>} : memref<50176xf32, #tpu.memory_space<vmem>>, vector<16xf32>,
      %swap3A_128 = vector.shape_cast %swap3A_127 : vector<16xf32> to vector<16xf32>
      %swap3A_129 = vector.shape_cast %add3A_126 : vector<16xf32> to vector<16xf32>
      tpu.vector_store %arg5[%swap3A], %swap3A_129 {strides = array<i32>} : memref<50176xf32, #tpu.memory_space<vmem>>, vector<16xf32>,
      %scan3A_130 = arith.constant 0 : i32
      scf.yield %scan3A_130 : i32
    }
    %scan3A_21 = arith.constant 3136 : i32
    "tpu.region"() ({
      %run_scoped3A = tpu.sem_alloc : memref<!tpu.dma_semaphore, #tpu.memory_space<semaphore_mem>>
      %dma_start3A = arith.constant 0 : i32
      %dma_start3A_88 = tpu.memref_slice %arg3[%add3A_14, %dma_start3A] : memref<256x50176xf32, #tpu.memory_space<hbm>> -> memref<1x50176xf32, #tpu.memory_space<hbm>>
      %dma_start3A_89 = tpu.memref_squeeze %dma_start3A_88 : memref<1x50176xf32, #tpu.memory_space<hbm>> -> memref<50176xf32, #tpu.memory_space<hbm>>
      %dma_start3A_90 = arith.constant 0 : i32
      %dma_start3A_91 = tpu.memref_slice %arg3[%add3A_14, %dma_start3A_90] : memref<256x50176xf32, #tpu.memory_space<hbm>> -> memref<1x50176xf32, #tpu.memory_space<hbm>>
      %dma_start3A_92 = tpu.memref_squeeze %dma_start3A_91 : memref<1x50176xf32, #tpu.memory_space<hbm>> -> memref<50176xf32, #tpu.memory_space<hbm>>
      tpu.enqueue_dma source(%arg5 : memref<50176xf32, #tpu.memory_space<vmem>>) target(%dma_start3A_92 : memref<50176xf32, #tpu.memory_space<hbm>>) target_semaphore(%run_scoped3A : memref<!tpu.dma_semaphore, #tpu.memory_space<semaphore_mem>>)
      %dma_wait3A = arith.constant 0 : i32
      %dma_wait3A_93 = tpu.memref_slice %arg3[%add3A_14, %dma_wait3A] : memref<256x50176xf32, #tpu.memory_space<hbm>> -> memref<1x50176xf32, #tpu.memory_space<hbm>>
      %dma_wait3A_94 = tpu.memref_squeeze %dma_wait3A_93 : memref<1x50176xf32, #tpu.memory_space<hbm>> -> memref<50176xf32, #tpu.memory_space<hbm>>
      %dma_wait3A_95 = arith.constant 0 : i32
      %dma_wait3A_96 = tpu.memref_slice %arg3[%add3A_14, %dma_wait3A_95] : memref<256x50176xf32, #tpu.memory_space<hbm>> -> memref<1x50176xf32, #tpu.memory_space<hbm>>
      %dma_wait3A_97 = tpu.memref_squeeze %dma_wait3A_96 : memref<1x50176xf32, #tpu.memory_space<hbm>> -> memref<50176xf32, #tpu.memory_space<hbm>>
      tpu.wait_dma2 semaphore(%run_scoped3A : memref<!tpu.dma_semaphore, #tpu.memory_space<semaphore_mem>>) src(%arg5 : memref<50176xf32, #tpu.memory_space<vmem>>) dst(%dma_wait3A_97 : memref<50176xf32, #tpu.memory_space<hbm>>)
      tpu.yield
    }) : () -> ()
    %mul3A_22 = arith.constant 8 : i32
    %mul3A_23 = arith.muli %add3A, %mul3A_22 : i32
    %add3A_24 = arith.constant 2 : i32
    %add3A_25 = arith.addi %mul3A_23, %add3A_24 : i32
    "tpu.region"() ({
      %run_scoped3A = tpu.sem_alloc : memref<!tpu.dma_semaphore, #tpu.memory_space<semaphore_mem>>
      %dma_start3A = arith.constant 0 : i32
      %dma_start3A_88 = tpu.memref_slice %arg2[%add3A_25, %dma_start3A] : memref<256x50176xf32, #tpu.memory_space<hbm>> -> memref<1x50176xf32, #tpu.memory_space<hbm>>
      %dma_start3A_89 = tpu.memref_squeeze %dma_start3A_88 : memref<1x50176xf32, #tpu.memory_space<hbm>> -> memref<50176xf32, #tpu.memory_space<hbm>>
      %dma_start3A_90 = arith.constant 0 : i32
      %dma_start3A_91 = tpu.memref_slice %arg2[%add3A_25, %dma_start3A_90] : memref<256x50176xf32, #tpu.memory_space<hbm>> -> memref<1x50176xf32, #tpu.memory_space<hbm>>
      %dma_start3A_92 = tpu.memref_squeeze %dma_start3A_91 : memref<1x50176xf32, #tpu.memory_space<hbm>> -> memref<50176xf32, #tpu.memory_space<hbm>>
      tpu.enqueue_dma source(%dma_start3A_92 : memref<50176xf32, #tpu.memory_space<hbm>>) target(%arg4 : memref<50176xf32, #tpu.memory_space<vmem>>) target_semaphore(%run_scoped3A : memref<!tpu.dma_semaphore, #tpu.memory_space<semaphore_mem>>)
      %dma_wait3A = arith.constant 0 : i32
      %dma_wait3A_93 = tpu.memref_slice %arg2[%add3A_25, %dma_wait3A] : memref<256x50176xf32, #tpu.memory_space<hbm>> -> memref<1x50176xf32, #tpu.memory_space<hbm>>
      %dma_wait3A_94 = tpu.memref_squeeze %dma_wait3A_93 : memref<1x50176xf32, #tpu.memory_space<hbm>> -> memref<50176xf32, #tpu.memory_space<hbm>>
      %dma_wait3A_95 = arith.constant 0 : i32
      %dma_wait3A_96 = tpu.memref_slice %arg2[%add3A_25, %dma_wait3A_95] : memref<256x50176xf32, #tpu.memory_space<hbm>> -> memref<1x50176xf32, #tpu.memory_space<hbm>>
      %dma_wait3A_97 = tpu.memref_squeeze %dma_wait3A_96 : memref<1x50176xf32, #tpu.memory_space<hbm>> -> memref<50176xf32, #tpu.memory_space<hbm>>
      tpu.wait_dma2 semaphore(%run_scoped3A : memref<!tpu.dma_semaphore, #tpu.memory_space<semaphore_mem>>) src(%dma_wait3A_97 : memref<50176xf32, #tpu.memory_space<hbm>>) dst(%arg4 : memref<50176xf32, #tpu.memory_space<vmem>>)
      tpu.yield
    }) : () -> ()
    %scan3A_26 = arith.constant 0 : i32
    %scan3A_27 = arith.constant 0 : i32
    %scan3A_28 = arith.constant 3136 : i32
    %scan3A_29 = arith.addi %scan3A_27, %scan3A_28 : i32
    %scan3A_30 = arith.constant 1 : i32
    %scan3A_31 = scf.for %scan3A_88 = %scan3A_27 to %scan3A_29 step %scan3A_30 iter_args(%scan3A_89 = %scan3A_26) -> (i32)  : i32 {
      %mul3A_90 = arith.constant 16 : i32
      %mul3A_91 = arith.muli %scan3A_88, %mul3A_90 : i32
      %jit3A = arith.constant 224 : i32
      %div3A = arith.divsi %mul3A_91, %jit3A : i32
      %sign3A = arith.constant 0 : i32
      %sign3A_92 = arith.cmpi sgt, %mul3A_91, %sign3A : i32
      %sign3A_93 = arith.extui %sign3A_92 : i1 to i32
      %sign3A_94 = arith.constant 0 : i32
      %sign3A_95 = arith.cmpi slt, %mul3A_91, %sign3A_94 : i32
      %sign3A_96 = arith.extui %sign3A_95 : i1 to i32
      %sign3A_97 = arith.subi %sign3A_93, %sign3A_96 : i32
      %sign3A_98 = arith.constant 0 : i32
      %sign3A_99 = arith.cmpi sgt, %jit3A, %sign3A_98 : i32
      %sign3A_100 = arith.extui %sign3A_99 : i1 to i32
      %sign3A_101 = arith.constant 0 : i32
      %sign3A_102 = arith.cmpi slt, %jit3A, %sign3A_101 : i32
      %sign3A_103 = arith.extui %sign3A_102 : i1 to i32
      %sign3A_104 = arith.subi %sign3A_100, %sign3A_103 : i32
      %ne3A = arith.cmpi ne, %sign3A_97, %sign3A_104 : i32
      %rem3A = arith.remsi %mul3A_91, %jit3A : i32
      %ne3A_105 = arith.constant 0 : i32
      %ne3A_106 = arith.cmpi ne, %rem3A, %ne3A_105 : i32
      %and3A = arith.andi %ne3A, %ne3A_106 : i1
      %sub3A = arith.constant 1 : i32
      %sub3A_107 = arith.subi %div3A, %sub3A : i32
      %select_n3A = arith.select %and3A, %sub3A_107, %div3A : i32
      %eq3A = arith.constant 0 : i32
      %eq3A_108 = arith.cmpi eq, %select_n3A, %eq3A : i32
      %sub3A_109 = arith.constant 224 : i32
      %sub3A_110 = arith.subi %mul3A_91, %sub3A_109 : i32
      %select_n3A_111 = arith.select %eq3A_108, %mul3A_91, %sub3A_110 : i32
      %eq3A_112 = arith.constant 223 : i32
      %eq3A_113 = arith.cmpi eq, %select_n3A, %eq3A_112 : i32
      %add3A_114 = arith.constant 224 : i32
      %add3A_115 = arith.addi %mul3A_91, %add3A_114 : i32
      %select_n3A_116 = arith.select %eq3A_113, %mul3A_91, %add3A_115 : i32
      %get3A = arith.index_cast %select_n3A_111 : i32 to index
      %get3A_117 = tpu.vector_load %arg4[%get3A] {strides = array<i32>} : memref<50176xf32, #tpu.memory_space<vmem>>, vector<16xf32>,
      %get3A_118 = vector.shape_cast %get3A_117 : vector<16xf32> to vector<16xf32>
      %get3A_119 = arith.index_cast %mul3A_91 : i32 to index
      %get3A_120 = tpu.vector_load %arg4[%get3A_119] {strides = array<i32>} : memref<50176xf32, #tpu.memory_space<vmem>>, vector<16xf32>,
      %get3A_121 = vector.shape_cast %get3A_120 : vector<16xf32> to vector<16xf32>
      %add3A_122 = arith.addf %get3A_118, %get3A_121 : vector<16xf32>
      %get3A_123 = arith.index_cast %select_n3A_116 : i32 to index
      %get3A_124 = tpu.vector_load %arg4[%get3A_123] {strides = array<i32>} : memref<50176xf32, #tpu.memory_space<vmem>>, vector<16xf32>,
      %get3A_125 = vector.shape_cast %get3A_124 : vector<16xf32> to vector<16xf32>
      %add3A_126 = arith.addf %add3A_122, %get3A_125 : vector<16xf32>
      %swap3A = arith.index_cast %mul3A_91 : i32 to index
      %swap3A_127 = tpu.vector_load %arg5[%swap3A] {strides = array<i32>} : memref<50176xf32, #tpu.memory_space<vmem>>, vector<16xf32>,
      %swap3A_128 = vector.shape_cast %swap3A_127 : vector<16xf32> to vector<16xf32>
      %swap3A_129 = vector.shape_cast %add3A_126 : vector<16xf32> to vector<16xf32>
      tpu.vector_store %arg5[%swap3A], %swap3A_129 {strides = array<i32>} : memref<50176xf32, #tpu.memory_space<vmem>>, vector<16xf32>,
      %scan3A_130 = arith.constant 0 : i32
      scf.yield %scan3A_130 : i32
    }
    %scan3A_32 = arith.constant 3136 : i32
    "tpu.region"() ({
      %run_scoped3A = tpu.sem_alloc : memref<!tpu.dma_semaphore, #tpu.memory_space<semaphore_mem>>
      %dma_start3A = arith.constant 0 : i32
      %dma_start3A_88 = tpu.memref_slice %arg3[%add3A_25, %dma_start3A] : memref<256x50176xf32, #tpu.memory_space<hbm>> -> memref<1x50176xf32, #tpu.memory_space<hbm>>
      %dma_start3A_89 = tpu.memref_squeeze %dma_start3A_88 : memref<1x50176xf32, #tpu.memory_space<hbm>> -> memref<50176xf32, #tpu.memory_space<hbm>>
      %dma_start3A_90 = arith.constant 0 : i32
      %dma_start3A_91 = tpu.memref_slice %arg3[%add3A_25, %dma_start3A_90] : memref<256x50176xf32, #tpu.memory_space<hbm>> -> memref<1x50176xf32, #tpu.memory_space<hbm>>
      %dma_start3A_92 = tpu.memref_squeeze %dma_start3A_91 : memref<1x50176xf32, #tpu.memory_space<hbm>> -> memref<50176xf32, #tpu.memory_space<hbm>>
      tpu.enqueue_dma source(%arg5 : memref<50176xf32, #tpu.memory_space<vmem>>) target(%dma_start3A_92 : memref<50176xf32, #tpu.memory_space<hbm>>) target_semaphore(%run_scoped3A : memref<!tpu.dma_semaphore, #tpu.memory_space<semaphore_mem>>)
      %dma_wait3A = arith.constant 0 : i32
      %dma_wait3A_93 = tpu.memref_slice %arg3[%add3A_25, %dma_wait3A] : memref<256x50176xf32, #tpu.memory_space<hbm>> -> memref<1x50176xf32, #tpu.memory_space<hbm>>
      %dma_wait3A_94 = tpu.memref_squeeze %dma_wait3A_93 : memref<1x50176xf32, #tpu.memory_space<hbm>> -> memref<50176xf32, #tpu.memory_space<hbm>>
      %dma_wait3A_95 = arith.constant 0 : i32
      %dma_wait3A_96 = tpu.memref_slice %arg3[%add3A_25, %dma_wait3A_95] : memref<256x50176xf32, #tpu.memory_space<hbm>> -> memref<1x50176xf32, #tpu.memory_space<hbm>>
      %dma_wait3A_97 = tpu.memref_squeeze %dma_wait3A_96 : memref<1x50176xf32, #tpu.memory_space<hbm>> -> memref<50176xf32, #tpu.memory_space<hbm>>
      tpu.wait_dma2 semaphore(%run_scoped3A : memref<!tpu.dma_semaphore, #tpu.memory_space<semaphore_mem>>) src(%arg5 : memref<50176xf32, #tpu.memory_space<vmem>>) dst(%dma_wait3A_97 : memref<50176xf32, #tpu.memory_space<hbm>>)
      tpu.yield
    }) : () -> ()
    %mul3A_33 = arith.constant 8 : i32
    %mul3A_34 = arith.muli %add3A, %mul3A_33 : i32
    %add3A_35 = arith.constant 3 : i32
    %add3A_36 = arith.addi %mul3A_34, %add3A_35 : i32
    "tpu.region"() ({
      %run_scoped3A = tpu.sem_alloc : memref<!tpu.dma_semaphore, #tpu.memory_space<semaphore_mem>>
      %dma_start3A = arith.constant 0 : i32
      %dma_start3A_88 = tpu.memref_slice %arg2[%add3A_36, %dma_start3A] : memref<256x50176xf32, #tpu.memory_space<hbm>> -> memref<1x50176xf32, #tpu.memory_space<hbm>>
      %dma_start3A_89 = tpu.memref_squeeze %dma_start3A_88 : memref<1x50176xf32, #tpu.memory_space<hbm>> -> memref<50176xf32, #tpu.memory_space<hbm>>
      %dma_start3A_90 = arith.constant 0 : i32
      %dma_start3A_91 = tpu.memref_slice %arg2[%add3A_36, %dma_start3A_90] : memref<256x50176xf32, #tpu.memory_space<hbm>> -> memref<1x50176xf32, #tpu.memory_space<hbm>>
      %dma_start3A_92 = tpu.memref_squeeze %dma_start3A_91 : memref<1x50176xf32, #tpu.memory_space<hbm>> -> memref<50176xf32, #tpu.memory_space<hbm>>
      tpu.enqueue_dma source(%dma_start3A_92 : memref<50176xf32, #tpu.memory_space<hbm>>) target(%arg4 : memref<50176xf32, #tpu.memory_space<vmem>>) target_semaphore(%run_scoped3A : memref<!tpu.dma_semaphore, #tpu.memory_space<semaphore_mem>>)
      %dma_wait3A = arith.constant 0 : i32
      %dma_wait3A_93 = tpu.memref_slice %arg2[%add3A_36, %dma_wait3A] : memref<256x50176xf32, #tpu.memory_space<hbm>> -> memref<1x50176xf32, #tpu.memory_space<hbm>>
      %dma_wait3A_94 = tpu.memref_squeeze %dma_wait3A_93 : memref<1x50176xf32, #tpu.memory_space<hbm>> -> memref<50176xf32, #tpu.memory_space<hbm>>
      %dma_wait3A_95 = arith.constant 0 : i32
      %dma_wait3A_96 = tpu.memref_slice %arg2[%add3A_36, %dma_wait3A_95] : memref<256x50176xf32, #tpu.memory_space<hbm>> -> memref<1x50176xf32, #tpu.memory_space<hbm>>
      %dma_wait3A_97 = tpu.memref_squeeze %dma_wait3A_96 : memref<1x50176xf32, #tpu.memory_space<hbm>> -> memref<50176xf32, #tpu.memory_space<hbm>>
      tpu.wait_dma2 semaphore(%run_scoped3A : memref<!tpu.dma_semaphore, #tpu.memory_space<semaphore_mem>>) src(%dma_wait3A_97 : memref<50176xf32, #tpu.memory_space<hbm>>) dst(%arg4 : memref<50176xf32, #tpu.memory_space<vmem>>)
      tpu.yield
    }) : () -> ()
    %scan3A_37 = arith.constant 0 : i32
    %scan3A_38 = arith.constant 0 : i32
    %scan3A_39 = arith.constant 3136 : i32
    %scan3A_40 = arith.addi %scan3A_38, %scan3A_39 : i32
    %scan3A_41 = arith.constant 1 : i32
    %scan3A_42 = scf.for %scan3A_88 = %scan3A_38 to %scan3A_40 step %scan3A_41 iter_args(%scan3A_89 = %scan3A_37) -> (i32)  : i32 {
      %mul3A_90 = arith.constant 16 : i32
      %mul3A_91 = arith.muli %scan3A_88, %mul3A_90 : i32
      %jit3A = arith.constant 224 : i32
      %div3A = arith.divsi %mul3A_91, %jit3A : i32
      %sign3A = arith.constant 0 : i32
      %sign3A_92 = arith.cmpi sgt, %mul3A_91, %sign3A : i32
      %sign3A_93 = arith.extui %sign3A_92 : i1 to i32
      %sign3A_94 = arith.constant 0 : i32
      %sign3A_95 = arith.cmpi slt, %mul3A_91, %sign3A_94 : i32
      %sign3A_96 = arith.extui %sign3A_95 : i1 to i32
      %sign3A_97 = arith.subi %sign3A_93, %sign3A_96 : i32
      %sign3A_98 = arith.constant 0 : i32
      %sign3A_99 = arith.cmpi sgt, %jit3A, %sign3A_98 : i32
      %sign3A_100 = arith.extui %sign3A_99 : i1 to i32
      %sign3A_101 = arith.constant 0 : i32
      %sign3A_102 = arith.cmpi slt, %jit3A, %sign3A_101 : i32
      %sign3A_103 = arith.extui %sign3A_102 : i1 to i32
      %sign3A_104 = arith.subi %sign3A_100, %sign3A_103 : i32
      %ne3A = arith.cmpi ne, %sign3A_97, %sign3A_104 : i32
      %rem3A = arith.remsi %mul3A_91, %jit3A : i32
      %ne3A_105 = arith.constant 0 : i32
      %ne3A_106 = arith.cmpi ne, %rem3A, %ne3A_105 : i32
      %and3A = arith.andi %ne3A, %ne3A_106 : i1
      %sub3A = arith.constant 1 : i32
      %sub3A_107 = arith.subi %div3A, %sub3A : i32
      %select_n3A = arith.select %and3A, %sub3A_107, %div3A : i32
      %eq3A = arith.constant 0 : i32
      %eq3A_108 = arith.cmpi eq, %select_n3A, %eq3A : i32
      %sub3A_109 = arith.constant 224 : i32
      %sub3A_110 = arith.subi %mul3A_91, %sub3A_109 : i32
      %select_n3A_111 = arith.select %eq3A_108, %mul3A_91, %sub3A_110 : i32
      %eq3A_112 = arith.constant 223 : i32
      %eq3A_113 = arith.cmpi eq, %select_n3A, %eq3A_112 : i32
      %add3A_114 = arith.constant 224 : i32
      %add3A_115 = arith.addi %mul3A_91, %add3A_114 : i32
      %select_n3A_116 = arith.select %eq3A_113, %mul3A_91, %add3A_115 : i32
      %get3A = arith.index_cast %select_n3A_111 : i32 to index
      %get3A_117 = tpu.vector_load %arg4[%get3A] {strides = array<i32>} : memref<50176xf32, #tpu.memory_space<vmem>>, vector<16xf32>,
      %get3A_118 = vector.shape_cast %get3A_117 : vector<16xf32> to vector<16xf32>
      %get3A_119 = arith.index_cast %mul3A_91 : i32 to index
      %get3A_120 = tpu.vector_load %arg4[%get3A_119] {strides = array<i32>} : memref<50176xf32, #tpu.memory_space<vmem>>, vector<16xf32>,
      %get3A_121 = vector.shape_cast %get3A_120 : vector<16xf32> to vector<16xf32>
      %add3A_122 = arith.addf %get3A_118, %get3A_121 : vector<16xf32>
      %get3A_123 = arith.index_cast %select_n3A_116 : i32 to index
      %get3A_124 = tpu.vector_load %arg4[%get3A_123] {strides = array<i32>} : memref<50176xf32, #tpu.memory_space<vmem>>, vector<16xf32>,
      %get3A_125 = vector.shape_cast %get3A_124 : vector<16xf32> to vector<16xf32>
      %add3A_126 = arith.addf %add3A_122, %get3A_125 : vector<16xf32>
      %swap3A = arith.index_cast %mul3A_91 : i32 to index
      %swap3A_127 = tpu.vector_load %arg5[%swap3A] {strides = array<i32>} : memref<50176xf32, #tpu.memory_space<vmem>>, vector<16xf32>,
      %swap3A_128 = vector.shape_cast %swap3A_127 : vector<16xf32> to vector<16xf32>
      %swap3A_129 = vector.shape_cast %add3A_126 : vector<16xf32> to vector<16xf32>
      tpu.vector_store %arg5[%swap3A], %swap3A_129 {strides = array<i32>} : memref<50176xf32, #tpu.memory_space<vmem>>, vector<16xf32>,
      %scan3A_130 = arith.constant 0 : i32
      scf.yield %scan3A_130 : i32
    }
    %scan3A_43 = arith.constant 3136 : i32
    "tpu.region"() ({
      %run_scoped3A = tpu.sem_alloc : memref<!tpu.dma_semaphore, #tpu.memory_space<semaphore_mem>>
      %dma_start3A = arith.constant 0 : i32
      %dma_start3A_88 = tpu.memref_slice %arg3[%add3A_36, %dma_start3A] : memref<256x50176xf32, #tpu.memory_space<hbm>> -> memref<1x50176xf32, #tpu.memory_space<hbm>>
      %dma_start3A_89 = tpu.memref_squeeze %dma_start3A_88 : memref<1x50176xf32, #tpu.memory_space<hbm>> -> memref<50176xf32, #tpu.memory_space<hbm>>
      %dma_start3A_90 = arith.constant 0 : i32
      %dma_start3A_91 = tpu.memref_slice %arg3[%add3A_36, %dma_start3A_90] : memref<256x50176xf32, #tpu.memory_space<hbm>> -> memref<1x50176xf32, #tpu.memory_space<hbm>>
      %dma_start3A_92 = tpu.memref_squeeze %dma_start3A_91 : memref<1x50176xf32, #tpu.memory_space<hbm>> -> memref<50176xf32, #tpu.memory_space<hbm>>
      tpu.enqueue_dma source(%arg5 : memref<50176xf32, #tpu.memory_space<vmem>>) target(%dma_start3A_92 : memref<50176xf32, #tpu.memory_space<hbm>>) target_semaphore(%run_scoped3A : memref<!tpu.dma_semaphore, #tpu.memory_space<semaphore_mem>>)
      %dma_wait3A = arith.constant 0 : i32
      %dma_wait3A_93 = tpu.memref_slice %arg3[%add3A_36, %dma_wait3A] : memref<256x50176xf32, #tpu.memory_space<hbm>> -> memref<1x50176xf32, #tpu.memory_space<hbm>>
      %dma_wait3A_94 = tpu.memref_squeeze %dma_wait3A_93 : memref<1x50176xf32, #tpu.memory_space<hbm>> -> memref<50176xf32, #tpu.memory_space<hbm>>
      %dma_wait3A_95 = arith.constant 0 : i32
      %dma_wait3A_96 = tpu.memref_slice %arg3[%add3A_36, %dma_wait3A_95] : memref<256x50176xf32, #tpu.memory_space<hbm>> -> memref<1x50176xf32, #tpu.memory_space<hbm>>
      %dma_wait3A_97 = tpu.memref_squeeze %dma_wait3A_96 : memref<1x50176xf32, #tpu.memory_space<hbm>> -> memref<50176xf32, #tpu.memory_space<hbm>>
      tpu.wait_dma2 semaphore(%run_scoped3A : memref<!tpu.dma_semaphore, #tpu.memory_space<semaphore_mem>>) src(%arg5 : memref<50176xf32, #tpu.memory_space<vmem>>) dst(%dma_wait3A_97 : memref<50176xf32, #tpu.memory_space<hbm>>)
      tpu.yield
    }) : () -> ()
    %mul3A_44 = arith.constant 8 : i32
    %mul3A_45 = arith.muli %add3A, %mul3A_44 : i32
    %add3A_46 = arith.constant 4 : i32
    %add3A_47 = arith.addi %mul3A_45, %add3A_46 : i32
    "tpu.region"() ({
      %run_scoped3A = tpu.sem_alloc : memref<!tpu.dma_semaphore, #tpu.memory_space<semaphore_mem>>
      %dma_start3A = arith.constant 0 : i32
      %dma_start3A_88 = tpu.memref_slice %arg2[%add3A_47, %dma_start3A] : memref<256x50176xf32, #tpu.memory_space<hbm>> -> memref<1x50176xf32, #tpu.memory_space<hbm>>
      %dma_start3A_89 = tpu.memref_squeeze %dma_start3A_88 : memref<1x50176xf32, #tpu.memory_space<hbm>> -> memref<50176xf32, #tpu.memory_space<hbm>>
      %dma_start3A_90 = arith.constant 0 : i32
      %dma_start3A_91 = tpu.memref_slice %arg2[%add3A_47, %dma_start3A_90] : memref<256x50176xf32, #tpu.memory_space<hbm>> -> memref<1x50176xf32, #tpu.memory_space<hbm>>
      %dma_start3A_92 = tpu.memref_squeeze %dma_start3A_91 : memref<1x50176xf32, #tpu.memory_space<hbm>> -> memref<50176xf32, #tpu.memory_space<hbm>>
      tpu.enqueue_dma source(%dma_start3A_92 : memref<50176xf32, #tpu.memory_space<hbm>>) target(%arg4 : memref<50176xf32, #tpu.memory_space<vmem>>) target_semaphore(%run_scoped3A : memref<!tpu.dma_semaphore, #tpu.memory_space<semaphore_mem>>)
      %dma_wait3A = arith.constant 0 : i32
      %dma_wait3A_93 = tpu.memref_slice %arg2[%add3A_47, %dma_wait3A] : memref<256x50176xf32, #tpu.memory_space<hbm>> -> memref<1x50176xf32, #tpu.memory_space<hbm>>
      %dma_wait3A_94 = tpu.memref_squeeze %dma_wait3A_93 : memref<1x50176xf32, #tpu.memory_space<hbm>> -> memref<50176xf32, #tpu.memory_space<hbm>>
      %dma_wait3A_95 = arith.constant 0 : i32
      %dma_wait3A_96 = tpu.memref_slice %arg2[%add3A_47, %dma_wait3A_95] : memref<256x50176xf32, #tpu.memory_space<hbm>> -> memref<1x50176xf32, #tpu.memory_space<hbm>>
      %dma_wait3A_97 = tpu.memref_squeeze %dma_wait3A_96 : memref<1x50176xf32, #tpu.memory_space<hbm>> -> memref<50176xf32, #tpu.memory_space<hbm>>
      tpu.wait_dma2 semaphore(%run_scoped3A : memref<!tpu.dma_semaphore, #tpu.memory_space<semaphore_mem>>) src(%dma_wait3A_97 : memref<50176xf32, #tpu.memory_space<hbm>>) dst(%arg4 : memref<50176xf32, #tpu.memory_space<vmem>>)
      tpu.yield
    }) : () -> ()
    %scan3A_48 = arith.constant 0 : i32
    %scan3A_49 = arith.constant 0 : i32
    %scan3A_50 = arith.constant 3136 : i32
    %scan3A_51 = arith.addi %scan3A_49, %scan3A_50 : i32
    %scan3A_52 = arith.constant 1 : i32
    %scan3A_53 = scf.for %scan3A_88 = %scan3A_49 to %scan3A_51 step %scan3A_52 iter_args(%scan3A_89 = %scan3A_48) -> (i32)  : i32 {
      %mul3A_90 = arith.constant 16 : i32
      %mul3A_91 = arith.muli %scan3A_88, %mul3A_90 : i32
      %jit3A = arith.constant 224 : i32
      %div3A = arith.divsi %mul3A_91, %jit3A : i32
      %sign3A = arith.constant 0 : i32
      %sign3A_92 = arith.cmpi sgt, %mul3A_91, %sign3A : i32
      %sign3A_93 = arith.extui %sign3A_92 : i1 to i32
      %sign3A_94 = arith.constant 0 : i32
      %sign3A_95 = arith.cmpi slt, %mul3A_91, %sign3A_94 : i32
      %sign3A_96 = arith.extui %sign3A_95 : i1 to i32
      %sign3A_97 = arith.subi %sign3A_93, %sign3A_96 : i32
      %sign3A_98 = arith.constant 0 : i32
      %sign3A_99 = arith.cmpi sgt, %jit3A, %sign3A_98 : i32
      %sign3A_100 = arith.extui %sign3A_99 : i1 to i32
      %sign3A_101 = arith.constant 0 : i32
      %sign3A_102 = arith.cmpi slt, %jit3A, %sign3A_101 : i32
      %sign3A_103 = arith.extui %sign3A_102 : i1 to i32
      %sign3A_104 = arith.subi %sign3A_100, %sign3A_103 : i32
      %ne3A = arith.cmpi ne, %sign3A_97, %sign3A_104 : i32
      %rem3A = arith.remsi %mul3A_91, %jit3A : i32
      %ne3A_105 = arith.constant 0 : i32
      %ne3A_106 = arith.cmpi ne, %rem3A, %ne3A_105 : i32
      %and3A = arith.andi %ne3A, %ne3A_106 : i1
      %sub3A = arith.constant 1 : i32
      %sub3A_107 = arith.subi %div3A, %sub3A : i32
      %select_n3A = arith.select %and3A, %sub3A_107, %div3A : i32
      %eq3A = arith.constant 0 : i32
      %eq3A_108 = arith.cmpi eq, %select_n3A, %eq3A : i32
      %sub3A_109 = arith.constant 224 : i32
      %sub3A_110 = arith.subi %mul3A_91, %sub3A_109 : i32
      %select_n3A_111 = arith.select %eq3A_108, %mul3A_91, %sub3A_110 : i32
      %eq3A_112 = arith.constant 223 : i32
      %eq3A_113 = arith.cmpi eq, %select_n3A, %eq3A_112 : i32
      %add3A_114 = arith.constant 224 : i32
      %add3A_115 = arith.addi %mul3A_91, %add3A_114 : i32
      %select_n3A_116 = arith.select %eq3A_113, %mul3A_91, %add3A_115 : i32
      %get3A = arith.index_cast %select_n3A_111 : i32 to index
      %get3A_117 = tpu.vector_load %arg4[%get3A] {strides = array<i32>} : memref<50176xf32, #tpu.memory_space<vmem>>, vector<16xf32>,
      %get3A_118 = vector.shape_cast %get3A_117 : vector<16xf32> to vector<16xf32>
      %get3A_119 = arith.index_cast %mul3A_91 : i32 to index
      %get3A_120 = tpu.vector_load %arg4[%get3A_119] {strides = array<i32>} : memref<50176xf32, #tpu.memory_space<vmem>>, vector<16xf32>,
      %get3A_121 = vector.shape_cast %get3A_120 : vector<16xf32> to vector<16xf32>
      %add3A_122 = arith.addf %get3A_118, %get3A_121 : vector<16xf32>
      %get3A_123 = arith.index_cast %select_n3A_116 : i32 to index
      %get3A_124 = tpu.vector_load %arg4[%get3A_123] {strides = array<i32>} : memref<50176xf32, #tpu.memory_space<vmem>>, vector<16xf32>,
      %get3A_125 = vector.shape_cast %get3A_124 : vector<16xf32> to vector<16xf32>
      %add3A_126 = arith.addf %add3A_122, %get3A_125 : vector<16xf32>
      %swap3A = arith.index_cast %mul3A_91 : i32 to index
      %swap3A_127 = tpu.vector_load %arg5[%swap3A] {strides = array<i32>} : memref<50176xf32, #tpu.memory_space<vmem>>, vector<16xf32>,
      %swap3A_128 = vector.shape_cast %swap3A_127 : vector<16xf32> to vector<16xf32>
      %swap3A_129 = vector.shape_cast %add3A_126 : vector<16xf32> to vector<16xf32>
      tpu.vector_store %arg5[%swap3A], %swap3A_129 {strides = array<i32>} : memref<50176xf32, #tpu.memory_space<vmem>>, vector<16xf32>,
      %scan3A_130 = arith.constant 0 : i32
      scf.yield %scan3A_130 : i32
    }
    %scan3A_54 = arith.constant 3136 : i32
    "tpu.region"() ({
      %run_scoped3A = tpu.sem_alloc : memref<!tpu.dma_semaphore, #tpu.memory_space<semaphore_mem>>
      %dma_start3A = arith.constant 0 : i32
      %dma_start3A_88 = tpu.memref_slice %arg3[%add3A_47, %dma_start3A] : memref<256x50176xf32, #tpu.memory_space<hbm>> -> memref<1x50176xf32, #tpu.memory_space<hbm>>
      %dma_start3A_89 = tpu.memref_squeeze %dma_start3A_88 : memref<1x50176xf32, #tpu.memory_space<hbm>> -> memref<50176xf32, #tpu.memory_space<hbm>>
      %dma_start3A_90 = arith.constant 0 : i32
      %dma_start3A_91 = tpu.memref_slice %arg3[%add3A_47, %dma_start3A_90] : memref<256x50176xf32, #tpu.memory_space<hbm>> -> memref<1x50176xf32, #tpu.memory_space<hbm>>
      %dma_start3A_92 = tpu.memref_squeeze %dma_start3A_91 : memref<1x50176xf32, #tpu.memory_space<hbm>> -> memref<50176xf32, #tpu.memory_space<hbm>>
      tpu.enqueue_dma source(%arg5 : memref<50176xf32, #tpu.memory_space<vmem>>) target(%dma_start3A_92 : memref<50176xf32, #tpu.memory_space<hbm>>) target_semaphore(%run_scoped3A : memref<!tpu.dma_semaphore, #tpu.memory_space<semaphore_mem>>)
      %dma_wait3A = arith.constant 0 : i32
      %dma_wait3A_93 = tpu.memref_slice %arg3[%add3A_47, %dma_wait3A] : memref<256x50176xf32, #tpu.memory_space<hbm>> -> memref<1x50176xf32, #tpu.memory_space<hbm>>
      %dma_wait3A_94 = tpu.memref_squeeze %dma_wait3A_93 : memref<1x50176xf32, #tpu.memory_space<hbm>> -> memref<50176xf32, #tpu.memory_space<hbm>>
      %dma_wait3A_95 = arith.constant 0 : i32
      %dma_wait3A_96 = tpu.memref_slice %arg3[%add3A_47, %dma_wait3A_95] : memref<256x50176xf32, #tpu.memory_space<hbm>> -> memref<1x50176xf32, #tpu.memory_space<hbm>>
      %dma_wait3A_97 = tpu.memref_squeeze %dma_wait3A_96 : memref<1x50176xf32, #tpu.memory_space<hbm>> -> memref<50176xf32, #tpu.memory_space<hbm>>
      tpu.wait_dma2 semaphore(%run_scoped3A : memref<!tpu.dma_semaphore, #tpu.memory_space<semaphore_mem>>) src(%arg5 : memref<50176xf32, #tpu.memory_space<vmem>>) dst(%dma_wait3A_97 : memref<50176xf32, #tpu.memory_space<hbm>>)
      tpu.yield
    }) : () -> ()
    %mul3A_55 = arith.constant 8 : i32
    %mul3A_56 = arith.muli %add3A, %mul3A_55 : i32
    %add3A_57 = arith.constant 5 : i32
    %add3A_58 = arith.addi %mul3A_56, %add3A_57 : i32
    "tpu.region"() ({
      %run_scoped3A = tpu.sem_alloc : memref<!tpu.dma_semaphore, #tpu.memory_space<semaphore_mem>>
      %dma_start3A = arith.constant 0 : i32
      %dma_start3A_88 = tpu.memref_slice %arg2[%add3A_58, %dma_start3A] : memref<256x50176xf32, #tpu.memory_space<hbm>> -> memref<1x50176xf32, #tpu.memory_space<hbm>>
      %dma_start3A_89 = tpu.memref_squeeze %dma_start3A_88 : memref<1x50176xf32, #tpu.memory_space<hbm>> -> memref<50176xf32, #tpu.memory_space<hbm>>
      %dma_start3A_90 = arith.constant 0 : i32
      %dma_start3A_91 = tpu.memref_slice %arg2[%add3A_58, %dma_start3A_90] : memref<256x50176xf32, #tpu.memory_space<hbm>> -> memref<1x50176xf32, #tpu.memory_space<hbm>>
      %dma_start3A_92 = tpu.memref_squeeze %dma_start3A_91 : memref<1x50176xf32, #tpu.memory_space<hbm>> -> memref<50176xf32, #tpu.memory_space<hbm>>
      tpu.enqueue_dma source(%dma_start3A_92 : memref<50176xf32, #tpu.memory_space<hbm>>) target(%arg4 : memref<50176xf32, #tpu.memory_space<vmem>>) target_semaphore(%run_scoped3A : memref<!tpu.dma_semaphore, #tpu.memory_space<semaphore_mem>>)
      %dma_wait3A = arith.constant 0 : i32
      %dma_wait3A_93 = tpu.memref_slice %arg2[%add3A_58, %dma_wait3A] : memref<256x50176xf32, #tpu.memory_space<hbm>> -> memref<1x50176xf32, #tpu.memory_space<hbm>>
      %dma_wait3A_94 = tpu.memref_squeeze %dma_wait3A_93 : memref<1x50176xf32, #tpu.memory_space<hbm>> -> memref<50176xf32, #tpu.memory_space<hbm>>
      %dma_wait3A_95 = arith.constant 0 : i32
      %dma_wait3A_96 = tpu.memref_slice %arg2[%add3A_58, %dma_wait3A_95] : memref<256x50176xf32, #tpu.memory_space<hbm>> -> memref<1x50176xf32, #tpu.memory_space<hbm>>
      %dma_wait3A_97 = tpu.memref_squeeze %dma_wait3A_96 : memref<1x50176xf32, #tpu.memory_space<hbm>> -> memref<50176xf32, #tpu.memory_space<hbm>>
      tpu.wait_dma2 semaphore(%run_scoped3A : memref<!tpu.dma_semaphore, #tpu.memory_space<semaphore_mem>>) src(%dma_wait3A_97 : memref<50176xf32, #tpu.memory_space<hbm>>) dst(%arg4 : memref<50176xf32, #tpu.memory_space<vmem>>)
      tpu.yield
    }) : () -> ()
    %scan3A_59 = arith.constant 0 : i32
    %scan3A_60 = arith.constant 0 : i32
    %scan3A_61 = arith.constant 3136 : i32
    %scan3A_62 = arith.addi %scan3A_60, %scan3A_61 : i32
    %scan3A_63 = arith.constant 1 : i32
    %scan3A_64 = scf.for %scan3A_88 = %scan3A_60 to %scan3A_62 step %scan3A_63 iter_args(%scan3A_89 = %scan3A_59) -> (i32)  : i32 {
      %mul3A_90 = arith.constant 16 : i32
      %mul3A_91 = arith.muli %scan3A_88, %mul3A_90 : i32
      %jit3A = arith.constant 224 : i32
      %div3A = arith.divsi %mul3A_91, %jit3A : i32
      %sign3A = arith.constant 0 : i32
      %sign3A_92 = arith.cmpi sgt, %mul3A_91, %sign3A : i32
      %sign3A_93 = arith.extui %sign3A_92 : i1 to i32
      %sign3A_94 = arith.constant 0 : i32
      %sign3A_95 = arith.cmpi slt, %mul3A_91, %sign3A_94 : i32
      %sign3A_96 = arith.extui %sign3A_95 : i1 to i32
      %sign3A_97 = arith.subi %sign3A_93, %sign3A_96 : i32
      %sign3A_98 = arith.constant 0 : i32
      %sign3A_99 = arith.cmpi sgt, %jit3A, %sign3A_98 : i32
      %sign3A_100 = arith.extui %sign3A_99 : i1 to i32
      %sign3A_101 = arith.constant 0 : i32
      %sign3A_102 = arith.cmpi slt, %jit3A, %sign3A_101 : i32
      %sign3A_103 = arith.extui %sign3A_102 : i1 to i32
      %sign3A_104 = arith.subi %sign3A_100, %sign3A_103 : i32
      %ne3A = arith.cmpi ne, %sign3A_97, %sign3A_104 : i32
      %rem3A = arith.remsi %mul3A_91, %jit3A : i32
      %ne3A_105 = arith.constant 0 : i32
      %ne3A_106 = arith.cmpi ne, %rem3A, %ne3A_105 : i32
      %and3A = arith.andi %ne3A, %ne3A_106 : i1
      %sub3A = arith.constant 1 : i32
      %sub3A_107 = arith.subi %div3A, %sub3A : i32
      %select_n3A = arith.select %and3A, %sub3A_107, %div3A : i32
      %eq3A = arith.constant 0 : i32
      %eq3A_108 = arith.cmpi eq, %select_n3A, %eq3A : i32
      %sub3A_109 = arith.constant 224 : i32
      %sub3A_110 = arith.subi %mul3A_91, %sub3A_109 : i32
      %select_n3A_111 = arith.select %eq3A_108, %mul3A_91, %sub3A_110 : i32
      %eq3A_112 = arith.constant 223 : i32
      %eq3A_113 = arith.cmpi eq, %select_n3A, %eq3A_112 : i32
      %add3A_114 = arith.constant 224 : i32
      %add3A_115 = arith.addi %mul3A_91, %add3A_114 : i32
      %select_n3A_116 = arith.select %eq3A_113, %mul3A_91, %add3A_115 : i32
      %get3A = arith.index_cast %select_n3A_111 : i32 to index
      %get3A_117 = tpu.vector_load %arg4[%get3A] {strides = array<i32>} : memref<50176xf32, #tpu.memory_space<vmem>>, vector<16xf32>,
      %get3A_118 = vector.shape_cast %get3A_117 : vector<16xf32> to vector<16xf32>
      %get3A_119 = arith.index_cast %mul3A_91 : i32 to index
      %get3A_120 = tpu.vector_load %arg4[%get3A_119] {strides = array<i32>} : memref<50176xf32, #tpu.memory_space<vmem>>, vector<16xf32>,
      %get3A_121 = vector.shape_cast %get3A_120 : vector<16xf32> to vector<16xf32>
      %add3A_122 = arith.addf %get3A_118, %get3A_121 : vector<16xf32>
      %get3A_123 = arith.index_cast %select_n3A_116 : i32 to index
      %get3A_124 = tpu.vector_load %arg4[%get3A_123] {strides = array<i32>} : memref<50176xf32, #tpu.memory_space<vmem>>, vector<16xf32>,
      %get3A_125 = vector.shape_cast %get3A_124 : vector<16xf32> to vector<16xf32>
      %add3A_126 = arith.addf %add3A_122, %get3A_125 : vector<16xf32>
      %swap3A = arith.index_cast %mul3A_91 : i32 to index
      %swap3A_127 = tpu.vector_load %arg5[%swap3A] {strides = array<i32>} : memref<50176xf32, #tpu.memory_space<vmem>>, vector<16xf32>,
      %swap3A_128 = vector.shape_cast %swap3A_127 : vector<16xf32> to vector<16xf32>
      %swap3A_129 = vector.shape_cast %add3A_126 : vector<16xf32> to vector<16xf32>
      tpu.vector_store %arg5[%swap3A], %swap3A_129 {strides = array<i32>} : memref<50176xf32, #tpu.memory_space<vmem>>, vector<16xf32>,
      %scan3A_130 = arith.constant 0 : i32
      scf.yield %scan3A_130 : i32
    }
    %scan3A_65 = arith.constant 3136 : i32
    "tpu.region"() ({
      %run_scoped3A = tpu.sem_alloc : memref<!tpu.dma_semaphore, #tpu.memory_space<semaphore_mem>>
      %dma_start3A = arith.constant 0 : i32
      %dma_start3A_88 = tpu.memref_slice %arg3[%add3A_58, %dma_start3A] : memref<256x50176xf32, #tpu.memory_space<hbm>> -> memref<1x50176xf32, #tpu.memory_space<hbm>>
      %dma_start3A_89 = tpu.memref_squeeze %dma_start3A_88 : memref<1x50176xf32, #tpu.memory_space<hbm>> -> memref<50176xf32, #tpu.memory_space<hbm>>
      %dma_start3A_90 = arith.constant 0 : i32
      %dma_start3A_91 = tpu.memref_slice %arg3[%add3A_58, %dma_start3A_90] : memref<256x50176xf32, #tpu.memory_space<hbm>> -> memref<1x50176xf32, #tpu.memory_space<hbm>>
      %dma_start3A_92 = tpu.memref_squeeze %dma_start3A_91 : memref<1x50176xf32, #tpu.memory_space<hbm>> -> memref<50176xf32, #tpu.memory_space<hbm>>
      tpu.enqueue_dma source(%arg5 : memref<50176xf32, #tpu.memory_space<vmem>>) target(%dma_start3A_92 : memref<50176xf32, #tpu.memory_space<hbm>>) target_semaphore(%run_scoped3A : memref<!tpu.dma_semaphore, #tpu.memory_space<semaphore_mem>>)
      %dma_wait3A = arith.constant 0 : i32
      %dma_wait3A_93 = tpu.memref_slice %arg3[%add3A_58, %dma_wait3A] : memref<256x50176xf32, #tpu.memory_space<hbm>> -> memref<1x50176xf32, #tpu.memory_space<hbm>>
      %dma_wait3A_94 = tpu.memref_squeeze %dma_wait3A_93 : memref<1x50176xf32, #tpu.memory_space<hbm>> -> memref<50176xf32, #tpu.memory_space<hbm>>
      %dma_wait3A_95 = arith.constant 0 : i32
      %dma_wait3A_96 = tpu.memref_slice %arg3[%add3A_58, %dma_wait3A_95] : memref<256x50176xf32, #tpu.memory_space<hbm>> -> memref<1x50176xf32, #tpu.memory_space<hbm>>
      %dma_wait3A_97 = tpu.memref_squeeze %dma_wait3A_96 : memref<1x50176xf32, #tpu.memory_space<hbm>> -> memref<50176xf32, #tpu.memory_space<hbm>>
      tpu.wait_dma2 semaphore(%run_scoped3A : memref<!tpu.dma_semaphore, #tpu.memory_space<semaphore_mem>>) src(%arg5 : memref<50176xf32, #tpu.memory_space<vmem>>) dst(%dma_wait3A_97 : memref<50176xf32, #tpu.memory_space<hbm>>)
      tpu.yield
    }) : () -> ()
    %mul3A_66 = arith.constant 8 : i32
    %mul3A_67 = arith.muli %add3A, %mul3A_66 : i32
    %add3A_68 = arith.constant 6 : i32
    %add3A_69 = arith.addi %mul3A_67, %add3A_68 : i32
    "tpu.region"() ({
      %run_scoped3A = tpu.sem_alloc : memref<!tpu.dma_semaphore, #tpu.memory_space<semaphore_mem>>
      %dma_start3A = arith.constant 0 : i32
      %dma_start3A_88 = tpu.memref_slice %arg2[%add3A_69, %dma_start3A] : memref<256x50176xf32, #tpu.memory_space<hbm>> -> memref<1x50176xf32, #tpu.memory_space<hbm>>
      %dma_start3A_89 = tpu.memref_squeeze %dma_start3A_88 : memref<1x50176xf32, #tpu.memory_space<hbm>> -> memref<50176xf32, #tpu.memory_space<hbm>>
      %dma_start3A_90 = arith.constant 0 : i32
      %dma_start3A_91 = tpu.memref_slice %arg2[%add3A_69, %dma_start3A_90] : memref<256x50176xf32, #tpu.memory_space<hbm>> -> memref<1x50176xf32, #tpu.memory_space<hbm>>
      %dma_start3A_92 = tpu.memref_squeeze %dma_start3A_91 : memref<1x50176xf32, #tpu.memory_space<hbm>> -> memref<50176xf32, #tpu.memory_space<hbm>>
      tpu.enqueue_dma source(%dma_start3A_92 : memref<50176xf32, #tpu.memory_space<hbm>>) target(%arg4 : memref<50176xf32, #tpu.memory_space<vmem>>) target_semaphore(%run_scoped3A : memref<!tpu.dma_semaphore, #tpu.memory_space<semaphore_mem>>)
      %dma_wait3A = arith.constant 0 : i32
      %dma_wait3A_93 = tpu.memref_slice %arg2[%add3A_69, %dma_wait3A] : memref<256x50176xf32, #tpu.memory_space<hbm>> -> memref<1x50176xf32, #tpu.memory_space<hbm>>
      %dma_wait3A_94 = tpu.memref_squeeze %dma_wait3A_93 : memref<1x50176xf32, #tpu.memory_space<hbm>> -> memref<50176xf32, #tpu.memory_space<hbm>>
      %dma_wait3A_95 = arith.constant 0 : i32
      %dma_wait3A_96 = tpu.memref_slice %arg2[%add3A_69, %dma_wait3A_95] : memref<256x50176xf32, #tpu.memory_space<hbm>> -> memref<1x50176xf32, #tpu.memory_space<hbm>>
      %dma_wait3A_97 = tpu.memref_squeeze %dma_wait3A_96 : memref<1x50176xf32, #tpu.memory_space<hbm>> -> memref<50176xf32, #tpu.memory_space<hbm>>
      tpu.wait_dma2 semaphore(%run_scoped3A : memref<!tpu.dma_semaphore, #tpu.memory_space<semaphore_mem>>) src(%dma_wait3A_97 : memref<50176xf32, #tpu.memory_space<hbm>>) dst(%arg4 : memref<50176xf32, #tpu.memory_space<vmem>>)
      tpu.yield
    }) : () -> ()
    %scan3A_70 = arith.constant 0 : i32
    %scan3A_71 = arith.constant 0 : i32
    %scan3A_72 = arith.constant 3136 : i32
    %scan3A_73 = arith.addi %scan3A_71, %scan3A_72 : i32
    %scan3A_74 = arith.constant 1 : i32
    %scan3A_75 = scf.for %scan3A_88 = %scan3A_71 to %scan3A_73 step %scan3A_74 iter_args(%scan3A_89 = %scan3A_70) -> (i32)  : i32 {
      %mul3A_90 = arith.constant 16 : i32
      %mul3A_91 = arith.muli %scan3A_88, %mul3A_90 : i32
      %jit3A = arith.constant 224 : i32
      %div3A = arith.divsi %mul3A_91, %jit3A : i32
      %sign3A = arith.constant 0 : i32
      %sign3A_92 = arith.cmpi sgt, %mul3A_91, %sign3A : i32
      %sign3A_93 = arith.extui %sign3A_92 : i1 to i32
      %sign3A_94 = arith.constant 0 : i32
      %sign3A_95 = arith.cmpi slt, %mul3A_91, %sign3A_94 : i32
      %sign3A_96 = arith.extui %sign3A_95 : i1 to i32
      %sign3A_97 = arith.subi %sign3A_93, %sign3A_96 : i32
      %sign3A_98 = arith.constant 0 : i32
      %sign3A_99 = arith.cmpi sgt, %jit3A, %sign3A_98 : i32
      %sign3A_100 = arith.extui %sign3A_99 : i1 to i32
      %sign3A_101 = arith.constant 0 : i32
      %sign3A_102 = arith.cmpi slt, %jit3A, %sign3A_101 : i32
      %sign3A_103 = arith.extui %sign3A_102 : i1 to i32
      %sign3A_104 = arith.subi %sign3A_100, %sign3A_103 : i32
      %ne3A = arith.cmpi ne, %sign3A_97, %sign3A_104 : i32
      %rem3A = arith.remsi %mul3A_91, %jit3A : i32
      %ne3A_105 = arith.constant 0 : i32
      %ne3A_106 = arith.cmpi ne, %rem3A, %ne3A_105 : i32
      %and3A = arith.andi %ne3A, %ne3A_106 : i1
      %sub3A = arith.constant 1 : i32
      %sub3A_107 = arith.subi %div3A, %sub3A : i32
      %select_n3A = arith.select %and3A, %sub3A_107, %div3A : i32
      %eq3A = arith.constant 0 : i32
      %eq3A_108 = arith.cmpi eq, %select_n3A, %eq3A : i32
      %sub3A_109 = arith.constant 224 : i32
      %sub3A_110 = arith.subi %mul3A_91, %sub3A_109 : i32
      %select_n3A_111 = arith.select %eq3A_108, %mul3A_91, %sub3A_110 : i32
      %eq3A_112 = arith.constant 223 : i32
      %eq3A_113 = arith.cmpi eq, %select_n3A, %eq3A_112 : i32
      %add3A_114 = arith.constant 224 : i32
      %add3A_115 = arith.addi %mul3A_91, %add3A_114 : i32
      %select_n3A_116 = arith.select %eq3A_113, %mul3A_91, %add3A_115 : i32
      %get3A = arith.index_cast %select_n3A_111 : i32 to index
      %get3A_117 = tpu.vector_load %arg4[%get3A] {strides = array<i32>} : memref<50176xf32, #tpu.memory_space<vmem>>, vector<16xf32>,
      %get3A_118 = vector.shape_cast %get3A_117 : vector<16xf32> to vector<16xf32>
      %get3A_119 = arith.index_cast %mul3A_91 : i32 to index
      %get3A_120 = tpu.vector_load %arg4[%get3A_119] {strides = array<i32>} : memref<50176xf32, #tpu.memory_space<vmem>>, vector<16xf32>,
      %get3A_121 = vector.shape_cast %get3A_120 : vector<16xf32> to vector<16xf32>
      %add3A_122 = arith.addf %get3A_118, %get3A_121 : vector<16xf32>
      %get3A_123 = arith.index_cast %select_n3A_116 : i32 to index
      %get3A_124 = tpu.vector_load %arg4[%get3A_123] {strides = array<i32>} : memref<50176xf32, #tpu.memory_space<vmem>>, vector<16xf32>,
      %get3A_125 = vector.shape_cast %get3A_124 : vector<16xf32> to vector<16xf32>
      %add3A_126 = arith.addf %add3A_122, %get3A_125 : vector<16xf32>
      %swap3A = arith.index_cast %mul3A_91 : i32 to index
      %swap3A_127 = tpu.vector_load %arg5[%swap3A] {strides = array<i32>} : memref<50176xf32, #tpu.memory_space<vmem>>, vector<16xf32>,
      %swap3A_128 = vector.shape_cast %swap3A_127 : vector<16xf32> to vector<16xf32>
      %swap3A_129 = vector.shape_cast %add3A_126 : vector<16xf32> to vector<16xf32>
      tpu.vector_store %arg5[%swap3A], %swap3A_129 {strides = array<i32>} : memref<50176xf32, #tpu.memory_space<vmem>>, vector<16xf32>,
      %scan3A_130 = arith.constant 0 : i32
      scf.yield %scan3A_130 : i32
    }
    %scan3A_76 = arith.constant 3136 : i32
    "tpu.region"() ({
      %run_scoped3A = tpu.sem_alloc : memref<!tpu.dma_semaphore, #tpu.memory_space<semaphore_mem>>
      %dma_start3A = arith.constant 0 : i32
      %dma_start3A_88 = tpu.memref_slice %arg3[%add3A_69, %dma_start3A] : memref<256x50176xf32, #tpu.memory_space<hbm>> -> memref<1x50176xf32, #tpu.memory_space<hbm>>
      %dma_start3A_89 = tpu.memref_squeeze %dma_start3A_88 : memref<1x50176xf32, #tpu.memory_space<hbm>> -> memref<50176xf32, #tpu.memory_space<hbm>>
      %dma_start3A_90 = arith.constant 0 : i32
      %dma_start3A_91 = tpu.memref_slice %arg3[%add3A_69, %dma_start3A_90] : memref<256x50176xf32, #tpu.memory_space<hbm>> -> memref<1x50176xf32, #tpu.memory_space<hbm>>
      %dma_start3A_92 = tpu.memref_squeeze %dma_start3A_91 : memref<1x50176xf32, #tpu.memory_space<hbm>> -> memref<50176xf32, #tpu.memory_space<hbm>>
      tpu.enqueue_dma source(%arg5 : memref<50176xf32, #tpu.memory_space<vmem>>) target(%dma_start3A_92 : memref<50176xf32, #tpu.memory_space<hbm>>) target_semaphore(%run_scoped3A : memref<!tpu.dma_semaphore, #tpu.memory_space<semaphore_mem>>)
      %dma_wait3A = arith.constant 0 : i32
      %dma_wait3A_93 = tpu.memref_slice %arg3[%add3A_69, %dma_wait3A] : memref<256x50176xf32, #tpu.memory_space<hbm>> -> memref<1x50176xf32, #tpu.memory_space<hbm>>
      %dma_wait3A_94 = tpu.memref_squeeze %dma_wait3A_93 : memref<1x50176xf32, #tpu.memory_space<hbm>> -> memref<50176xf32, #tpu.memory_space<hbm>>
      %dma_wait3A_95 = arith.constant 0 : i32
      %dma_wait3A_96 = tpu.memref_slice %arg3[%add3A_69, %dma_wait3A_95] : memref<256x50176xf32, #tpu.memory_space<hbm>> -> memref<1x50176xf32, #tpu.memory_space<hbm>>
      %dma_wait3A_97 = tpu.memref_squeeze %dma_wait3A_96 : memref<1x50176xf32, #tpu.memory_space<hbm>> -> memref<50176xf32, #tpu.memory_space<hbm>>
      tpu.wait_dma2 semaphore(%run_scoped3A : memref<!tpu.dma_semaphore, #tpu.memory_space<semaphore_mem>>) src(%arg5 : memref<50176xf32, #tpu.memory_space<vmem>>) dst(%dma_wait3A_97 : memref<50176xf32, #tpu.memory_space<hbm>>)
      tpu.yield
    }) : () -> ()
    %mul3A_77 = arith.constant 8 : i32
    %mul3A_78 = arith.muli %add3A, %mul3A_77 : i32
    %add3A_79 = arith.constant 7 : i32
    %add3A_80 = arith.addi %mul3A_78, %add3A_79 : i32
    "tpu.region"() ({
      %run_scoped3A = tpu.sem_alloc : memref<!tpu.dma_semaphore, #tpu.memory_space<semaphore_mem>>
      %dma_start3A = arith.constant 0 : i32
      %dma_start3A_88 = tpu.memref_slice %arg2[%add3A_80, %dma_start3A] : memref<256x50176xf32, #tpu.memory_space<hbm>> -> memref<1x50176xf32, #tpu.memory_space<hbm>>
      %dma_start3A_89 = tpu.memref_squeeze %dma_start3A_88 : memref<1x50176xf32, #tpu.memory_space<hbm>> -> memref<50176xf32, #tpu.memory_space<hbm>>
      %dma_start3A_90 = arith.constant 0 : i32
      %dma_start3A_91 = tpu.memref_slice %arg2[%add3A_80, %dma_start3A_90] : memref<256x50176xf32, #tpu.memory_space<hbm>> -> memref<1x50176xf32, #tpu.memory_space<hbm>>
      %dma_start3A_92 = tpu.memref_squeeze %dma_start3A_91 : memref<1x50176xf32, #tpu.memory_space<hbm>> -> memref<50176xf32, #tpu.memory_space<hbm>>
      tpu.enqueue_dma source(%dma_start3A_92 : memref<50176xf32, #tpu.memory_space<hbm>>) target(%arg4 : memref<50176xf32, #tpu.memory_space<vmem>>) target_semaphore(%run_scoped3A : memref<!tpu.dma_semaphore, #tpu.memory_space<semaphore_mem>>)
      %dma_wait3A = arith.constant 0 : i32
      %dma_wait3A_93 = tpu.memref_slice %arg2[%add3A_80, %dma_wait3A] : memref<256x50176xf32, #tpu.memory_space<hbm>> -> memref<1x50176xf32, #tpu.memory_space<hbm>>
      %dma_wait3A_94 = tpu.memref_squeeze %dma_wait3A_93 : memref<1x50176xf32, #tpu.memory_space<hbm>> -> memref<50176xf32, #tpu.memory_space<hbm>>
      %dma_wait3A_95 = arith.constant 0 : i32
      %dma_wait3A_96 = tpu.memref_slice %arg2[%add3A_80, %dma_wait3A_95] : memref<256x50176xf32, #tpu.memory_space<hbm>> -> memref<1x50176xf32, #tpu.memory_space<hbm>>
      %dma_wait3A_97 = tpu.memref_squeeze %dma_wait3A_96 : memref<1x50176xf32, #tpu.memory_space<hbm>> -> memref<50176xf32, #tpu.memory_space<hbm>>
      tpu.wait_dma2 semaphore(%run_scoped3A : memref<!tpu.dma_semaphore, #tpu.memory_space<semaphore_mem>>) src(%dma_wait3A_97 : memref<50176xf32, #tpu.memory_space<hbm>>) dst(%arg4 : memref<50176xf32, #tpu.memory_space<vmem>>)
      tpu.yield
    }) : () -> ()
    %scan3A_81 = arith.constant 0 : i32
    %scan3A_82 = arith.constant 0 : i32
    %scan3A_83 = arith.constant 3136 : i32
    %scan3A_84 = arith.addi %scan3A_82, %scan3A_83 : i32
    %scan3A_85 = arith.constant 1 : i32
    %scan3A_86 = scf.for %scan3A_88 = %scan3A_82 to %scan3A_84 step %scan3A_85 iter_args(%scan3A_89 = %scan3A_81) -> (i32)  : i32 {
      %mul3A_90 = arith.constant 16 : i32
      %mul3A_91 = arith.muli %scan3A_88, %mul3A_90 : i32
      %jit3A = arith.constant 224 : i32
      %div3A = arith.divsi %mul3A_91, %jit3A : i32
      %sign3A = arith.constant 0 : i32
      %sign3A_92 = arith.cmpi sgt, %mul3A_91, %sign3A : i32
      %sign3A_93 = arith.extui %sign3A_92 : i1 to i32
      %sign3A_94 = arith.constant 0 : i32
      %sign3A_95 = arith.cmpi slt, %mul3A_91, %sign3A_94 : i32
      %sign3A_96 = arith.extui %sign3A_95 : i1 to i32
      %sign3A_97 = arith.subi %sign3A_93, %sign3A_96 : i32
      %sign3A_98 = arith.constant 0 : i32
      %sign3A_99 = arith.cmpi sgt, %jit3A, %sign3A_98 : i32
      %sign3A_100 = arith.extui %sign3A_99 : i1 to i32
      %sign3A_101 = arith.constant 0 : i32
      %sign3A_102 = arith.cmpi slt, %jit3A, %sign3A_101 : i32
      %sign3A_103 = arith.extui %sign3A_102 : i1 to i32
      %sign3A_104 = arith.subi %sign3A_100, %sign3A_103 : i32
      %ne3A = arith.cmpi ne, %sign3A_97, %sign3A_104 : i32
      %rem3A = arith.remsi %mul3A_91, %jit3A : i32
      %ne3A_105 = arith.constant 0 : i32
      %ne3A_106 = arith.cmpi ne, %rem3A, %ne3A_105 : i32
      %and3A = arith.andi %ne3A, %ne3A_106 : i1
      %sub3A = arith.constant 1 : i32
      %sub3A_107 = arith.subi %div3A, %sub3A : i32
      %select_n3A = arith.select %and3A, %sub3A_107, %div3A : i32
      %eq3A = arith.constant 0 : i32
      %eq3A_108 = arith.cmpi eq, %select_n3A, %eq3A : i32
      %sub3A_109 = arith.constant 224 : i32
      %sub3A_110 = arith.subi %mul3A_91, %sub3A_109 : i32
      %select_n3A_111 = arith.select %eq3A_108, %mul3A_91, %sub3A_110 : i32
      %eq3A_112 = arith.constant 223 : i32
      %eq3A_113 = arith.cmpi eq, %select_n3A, %eq3A_112 : i32
      %add3A_114 = arith.constant 224 : i32
      %add3A_115 = arith.addi %mul3A_91, %add3A_114 : i32
      %select_n3A_116 = arith.select %eq3A_113, %mul3A_91, %add3A_115 : i32
      %get3A = arith.index_cast %select_n3A_111 : i32 to index
      %get3A_117 = tpu.vector_load %arg4[%get3A] {strides = array<i32>} : memref<50176xf32, #tpu.memory_space<vmem>>, vector<16xf32>,
      %get3A_118 = vector.shape_cast %get3A_117 : vector<16xf32> to vector<16xf32>
      %get3A_119 = arith.index_cast %mul3A_91 : i32 to index
      %get3A_120 = tpu.vector_load %arg4[%get3A_119] {strides = array<i32>} : memref<50176xf32, #tpu.memory_space<vmem>>, vector<16xf32>,
      %get3A_121 = vector.shape_cast %get3A_120 : vector<16xf32> to vector<16xf32>
      %add3A_122 = arith.addf %get3A_118, %get3A_121 : vector<16xf32>
      %get3A_123 = arith.index_cast %select_n3A_116 : i32 to index
      %get3A_124 = tpu.vector_load %arg4[%get3A_123] {strides = array<i32>} : memref<50176xf32, #tpu.memory_space<vmem>>, vector<16xf32>,
      %get3A_125 = vector.shape_cast %get3A_124 : vector<16xf32> to vector<16xf32>
      %add3A_126 = arith.addf %add3A_122, %get3A_125 : vector<16xf32>
      %swap3A = arith.index_cast %mul3A_91 : i32 to index
      %swap3A_127 = tpu.vector_load %arg5[%swap3A] {strides = array<i32>} : memref<50176xf32, #tpu.memory_space<vmem>>, vector<16xf32>,
      %swap3A_128 = vector.shape_cast %swap3A_127 : vector<16xf32> to vector<16xf32>
      %swap3A_129 = vector.shape_cast %add3A_126 : vector<16xf32> to vector<16xf32>
      tpu.vector_store %arg5[%swap3A], %swap3A_129 {strides = array<i32>} : memref<50176xf32, #tpu.memory_space<vmem>>, vector<16xf32>,
      %scan3A_130 = arith.constant 0 : i32
      scf.yield %scan3A_130 : i32
    }
    %scan3A_87 = arith.constant 3136 : i32
    "tpu.region"() ({
      %run_scoped3A = tpu.sem_alloc : memref<!tpu.dma_semaphore, #tpu.memory_space<semaphore_mem>>
      %dma_start3A = arith.constant 0 : i32
      %dma_start3A_88 = tpu.memref_slice %arg3[%add3A_80, %dma_start3A] : memref<256x50176xf32, #tpu.memory_space<hbm>> -> memref<1x50176xf32, #tpu.memory_space<hbm>>
      %dma_start3A_89 = tpu.memref_squeeze %dma_start3A_88 : memref<1x50176xf32, #tpu.memory_space<hbm>> -> memref<50176xf32, #tpu.memory_space<hbm>>
      %dma_start3A_90 = arith.constant 0 : i32
      %dma_start3A_91 = tpu.memref_slice %arg3[%add3A_80, %dma_start3A_90] : memref<256x50176xf32, #tpu.memory_space<hbm>> -> memref<1x50176xf32, #tpu.memory_space<hbm>>
      %dma_start3A_92 = tpu.memref_squeeze %dma_start3A_91 : memref<1x50176xf32, #tpu.memory_space<hbm>> -> memref<50176xf32, #tpu.memory_space<hbm>>
      tpu.enqueue_dma source(%arg5 : memref<50176xf32, #tpu.memory_space<vmem>>) target(%dma_start3A_92 : memref<50176xf32, #tpu.memory_space<hbm>>) target_semaphore(%run_scoped3A : memref<!tpu.dma_semaphore, #tpu.memory_space<semaphore_mem>>)
      %dma_wait3A = arith.constant 0 : i32
      %dma_wait3A_93 = tpu.memref_slice %arg3[%add3A_80, %dma_wait3A] : memref<256x50176xf32, #tpu.memory_space<hbm>> -> memref<1x50176xf32, #tpu.memory_space<hbm>>
      %dma_wait3A_94 = tpu.memref_squeeze %dma_wait3A_93 : memref<1x50176xf32, #tpu.memory_space<hbm>> -> memref<50176xf32, #tpu.memory_space<hbm>>
      %dma_wait3A_95 = arith.constant 0 : i32
      %dma_wait3A_96 = tpu.memref_slice %arg3[%add3A_80, %dma_wait3A_95] : memref<256x50176xf32, #tpu.memory_space<hbm>> -> memref<1x50176xf32, #tpu.memory_space<hbm>>
      %dma_wait3A_97 = tpu.memref_squeeze %dma_wait3A_96 : memref<1x50176xf32, #tpu.memory_space<hbm>> -> memref<50176xf32, #tpu.memory_space<hbm>>
      tpu.wait_dma2 semaphore(%run_scoped3A : memref<!tpu.dma_semaphore, #tpu.memory_space<semaphore_mem>>) src(%arg5 : memref<50176xf32, #tpu.memory_space<vmem>>) dst(%dma_wait3A_97 : memref<50176xf32, #tpu.memory_space<hbm>>)
      tpu.yield
    }) : () -> ()
    return
  }
}

module attributes {stable_mosaic.version = 14 : i64} {
  func.func @_tc_kernel(%arg0: i32, %arg1: i32, %arg2: memref<1x128x6272xf32, #tpu.memory_space<vmem>>, %arg3: memref<1x128x6272xf32, #tpu.memory_space<vmem>>, %arg4: memref<128x256xf32, #tpu.memory_space<vmem>>, %arg5: memref<128x1xf32, #tpu.memory_space<vmem>>, %arg6: memref<1x128x6272xf32, #tpu.memory_space<vmem>>) attributes {dimension_semantics = [#tpu.dimension_semantics<parallel>, #tpu.dimension_semantics<arbitrary>], iteration_bounds = array<i64: 2, 8>, scalar_prefetch = 0 : i64, scratch_operands = 0 : i64, tpu.core_type = #tpu.core_type<tc>, window_params = [{transform_indices = @transform_0, window_bounds = array<i64: 1, 128, 6272>}, {transform_indices = @transform_1, window_bounds = array<i64: 1, 128, 6272>}, {pipeline_mode = #tpu.pipeline_mode<synchronous>, transform_indices = @transform_2, window_bounds = array<i64: 128, 256>}, {pipeline_mode = #tpu.pipeline_mode<synchronous>, transform_indices = @transform_3, window_bounds = array<i64: 128, 1>}, {transform_indices = @transform_4, window_bounds = array<i64: 1, 128, 6272>}]} {
    %get3A = arith.constant 0 : index
    %get3A_0 = arith.constant 0 : index
    %get3A_1 = arith.constant 0 : index
    %get3A_2 = vector.load %arg2[%get3A, %get3A_0, %get3A_1] : memref<1x128x6272xf32, #tpu.memory_space<vmem>>, vector<1x128x6272xf32>
    %get3A_3 = vector.shape_cast %get3A_2 : vector<1x128x6272xf32> to vector<128x6272xf32>
    %get3A_4 = arith.constant 0 : index
    %get3A_5 = arith.constant 0 : index
    %get3A_6 = arith.constant 0 : index
    %get3A_7 = vector.load %arg3[%get3A_4, %get3A_5, %get3A_6] : memref<1x128x6272xf32, #tpu.memory_space<vmem>>, vector<1x128x6272xf32>
    %get3A_8 = vector.shape_cast %get3A_7 : vector<1x128x6272xf32> to vector<128x6272xf32>
    %iota3A = tpu.iota {dimensions = array<i32: 1>} : vector<1x6272xi32>
    %jit3A = arith.constant 224 : i32
    %eq3A = arith.constant 0 : i32
    %eq3A_9 = arith.cmpi eq, %jit3A, %eq3A : i32
    %jit3A_10 = arith.constant 1 : i32
    %select_n3A = arith.select %eq3A_9, %jit3A_10, %jit3A : i32
    %rem3A = vector.broadcast %select_n3A : i32 to vector<1x6272xi32>
    %rem3A_11 = arith.remsi %iota3A, %rem3A : vector<1x6272xi32>
    %ne3A = arith.constant 0 : i32
    %ne3A_12 = vector.broadcast %ne3A : i32 to vector<1x6272xi32>
    %ne3A_13 = arith.cmpi ne, %rem3A_11, %ne3A_12 : vector<1x6272xi32>
    %lt3A = arith.constant 0 : i32
    %lt3A_14 = vector.broadcast %lt3A : i32 to vector<1x6272xi32>
    %lt3A_15 = arith.cmpi slt, %rem3A_11, %lt3A_14 : vector<1x6272xi32>
    %lt3A_16 = arith.constant 0 : i32
    %lt3A_17 = arith.cmpi slt, %select_n3A, %lt3A_16 : i32
    %ne3A_18 = vector.broadcast %lt3A_17 : i1 to vector<1x6272xi1>
    %ne3A_19 = vector.broadcast %ne3A_18 : vector<1x6272xi1> to vector<1x6272xi1>
    %ne3A_20 = arith.xori %lt3A_15, %ne3A_19 : vector<1x6272xi1>
    %and3A = arith.andi %ne3A_20, %ne3A_13 : vector<1x6272xi1>
    %add3A = vector.broadcast %select_n3A : i32 to vector<1x6272xi32>
    %add3A_21 = arith.addi %rem3A_11, %add3A : vector<1x6272xi32>
    %select_n3A_22 = arith.select %and3A, %add3A_21, %rem3A_11 : vector<1x6272xi1>, vector<1x6272xi32>
    %slice3A = vector.extract_strided_slice %get3A_8 {offsets = [0, 0], sizes = [128, 1], strides = [1, 1]} : vector<128x6272xf32> to vector<128x1xf32>
    %slice3A_23 = vector.extract_strided_slice %get3A_8 {offsets = [0, 0], sizes = [128, 6271], strides = [1, 1]} : vector<128x6272xf32> to vector<128x6271xf32>
    %concatenate3A = tpu.concatenate %slice3A, %slice3A_23 in 1 : vector<128x1xf32>, vector<128x6271xf32> -> vector<128x6272xf32>
    %eq3A_24 = arith.constant 0 : i32
    %eq3A_25 = vector.broadcast %eq3A_24 : i32 to vector<1x6272xi32>
    %eq3A_26 = arith.cmpi eq, %select_n3A_22, %eq3A_25 : vector<1x6272xi32>
    %broadcast_in_dim3A = vector.shape_cast %eq3A_26 : vector<1x6272xi1> to vector<1x6272xi1>
    %broadcast_in_dim3A_27 = vector.broadcast %broadcast_in_dim3A : vector<1x6272xi1> to vector<128x6272xi1>
    %select_n3A_28 = arith.select %broadcast_in_dim3A_27, %get3A_8, %concatenate3A : vector<128x6272xi1>, vector<128x6272xf32>
    %slice3A_29 = vector.extract_strided_slice %get3A_8 {offsets = [0, 1], sizes = [128, 6271], strides = [1, 1]} : vector<128x6272xf32> to vector<128x6271xf32>
    %slice3A_30 = vector.extract_strided_slice %get3A_8 {offsets = [0, 6271], sizes = [128, 1], strides = [1, 1]} : vector<128x6272xf32> to vector<128x1xf32>
    %concatenate3A_31 = tpu.concatenate %slice3A_29, %slice3A_30 in 1 : vector<128x6271xf32>, vector<128x1xf32> -> vector<128x6272xf32>
    %eq3A_32 = arith.constant 223 : i32
    %eq3A_33 = vector.broadcast %eq3A_32 : i32 to vector<1x6272xi32>
    %eq3A_34 = arith.cmpi eq, %select_n3A_22, %eq3A_33 : vector<1x6272xi32>
    %broadcast_in_dim3A_35 = vector.shape_cast %eq3A_34 : vector<1x6272xi1> to vector<1x6272xi1>
    %broadcast_in_dim3A_36 = vector.broadcast %broadcast_in_dim3A_35 : vector<1x6272xi1> to vector<128x6272xi1>
    %select_n3A_37 = arith.select %broadcast_in_dim3A_36, %get3A_8, %concatenate3A_31 : vector<128x6272xi1>, vector<128x6272xf32>
    %add3A_38 = arith.addf %select_n3A_28, %get3A_8 : vector<128x6272xf32>
    %add3A_39 = arith.addf %add3A_38, %select_n3A_37 : vector<128x6272xf32>
    %sub3A = arith.subf %add3A_39, %get3A_3 : vector<128x6272xf32>
    %mul3A = arith.constant 1.250000e-01 : f32
    %mul3A_40 = vector.broadcast %mul3A : f32 to vector<128x6272xf32>
    %mul3A_41 = arith.mulf %sub3A, %mul3A_40 : vector<128x6272xf32>
    %concatenate3A_42 = tpu.concatenate %get3A_3, %mul3A_41 in 0 : vector<128x6272xf32>, vector<128x6272xf32> -> vector<256x6272xf32>
    %get3A_43 = arith.constant 0 : index
    %get3A_44 = arith.constant 0 : index
    %get3A_45 = vector.load %arg4[%get3A_43, %get3A_44] : memref<128x256xf32, #tpu.memory_space<vmem>>, vector<128x256xf32>
    %dot_general3A = arith.constant dense<0.000000e+00> : vector<128x6272xf32>
    %dot_general3A_46 = tpu.matmul %get3A_45, %concatenate3A_42, %dot_general3A {dimension_numbers = #tpu.dot_dimension_numbers<[1], [0], [0], [1], [0, 0, 1, 1], [], []>, transpose_lhs_hint = false} : vector<128x256xf32>, vector<256x6272xf32>, vector<128x6272xf32> -> vector<128x6272xf32>
    %get3A_47 = arith.constant 0 : index
    %get3A_48 = arith.constant 0 : index
    %get3A_49 = vector.load %arg5[%get3A_47, %get3A_48] : memref<128x1xf32, #tpu.memory_space<vmem>>, vector<128x1xf32>
    %add3A_50 = vector.broadcast %get3A_49 : vector<128x1xf32> to vector<128x6272xf32>
    %add3A_51 = arith.addf %dot_general3A_46, %add3A_50 : vector<128x6272xf32>
    %max3A = arith.constant 0.000000e+00 : f32
    %max3A_52 = vector.broadcast %max3A : f32 to vector<128x6272xf32>
    %max3A_53 = arith.maximumf %add3A_51, %max3A_52 : vector<128x6272xf32>
    %add3A_54 = arith.addf %max3A_53, %get3A_3 : vector<128x6272xf32>
    %swap3A = arith.constant 0 : index
    %swap3A_55 = arith.constant 0 : index
    %swap3A_56 = arith.constant 0 : index
    %swap3A_57 = vector.load %arg6[%swap3A, %swap3A_55, %swap3A_56] : memref<1x128x6272xf32, #tpu.memory_space<vmem>>, vector<1x128x6272xf32>
    %swap3A_58 = vector.shape_cast %swap3A_57 : vector<1x128x6272xf32> to vector<128x6272xf32>
    %swap3A_59 = vector.shape_cast %add3A_54 : vector<128x6272xf32> to vector<1x128x6272xf32>
    tpu.vector_store %arg6[%swap3A, %swap3A_55, %swap3A_56], %swap3A_59 {strides = array<i32>} : memref<1x128x6272xf32, #tpu.memory_space<vmem>>, vector<1x128x6272xf32>,
    return
  }
  func.func @transform_0(%arg0: i32, %arg1: i32) -> (i32, i32, i32) {
    %c0_i32 = arith.constant 0 : i32
    %c0_i32_0 = arith.constant 0 : i32
    return %arg0, %c0_i32, %arg1 : i32, i32, i32
  }
  func.func @transform_1(%arg0: i32, %arg1: i32) -> (i32, i32, i32) {
    %c0_i32 = arith.constant 0 : i32
    %c0_i32_0 = arith.constant 0 : i32
    return %arg0, %c0_i32, %arg1 : i32, i32, i32
  }
  func.func @transform_2(%arg0: i32, %arg1: i32) -> (i32, i32) {
    %c0_i32 = arith.constant 0 : i32
    %c0_i32_0 = arith.constant 0 : i32
    %c0_i32_1 = arith.constant 0 : i32
    return %c0_i32, %c0_i32_0 : i32, i32
  }
  func.func @transform_3(%arg0: i32, %arg1: i32) -> (i32, i32) {
    %c0_i32 = arith.constant 0 : i32
    %c0_i32_0 = arith.constant 0 : i32
    %c0_i32_1 = arith.constant 0 : i32
    return %c0_i32, %c0_i32_0 : i32, i32
  }
  func.func @transform_4(%arg0: i32, %arg1: i32) -> (i32, i32, i32) {
    %c0_i32 = arith.constant 0 : i32
    %c0_i32_0 = arith.constant 0 : i32
    return %arg0, %c0_i32, %arg1 : i32, i32, i32
  }
}

</mosaic_0001>

<sc_bundles>
// kernel: kernel.4.cloned.1.call-start
scs
__scs_entry_jumppad:
0x0: {  	(pc) =	sbr.rel $0x88, $3  }
0x1: {  	(tag) =	ssettag $0x0;
	lr =	simm.s32 $0x1  }
0x2: {  	[smem:$0x3F9E] =	sst lr;
	_ =	strace $0xD0000000  }
0x3: {  	_ = 	snop  }
0x4: {  	_ = 	snop  }
0x5: {  	_ = 	snop  }
0x6: {  	_ = 	snop  }
0x7: {  	_ = 	snop  }
__scs_overlays_trampoline_lowered:
0x8: {  	[smem:$0x3FAD] =	sst s0  }
0x9: {  	[smem:$0x3FAE] =	sst s1  }
0xa: {  	[smem:$0x3FAF] =	sst s2  }
0xb: {  	[smem:$0x3FB0] =	sst s3  }
0xc: {  	[smem:$0x3FB1] =	sst s4  }
0xd: {  	[smem:$0x3FB2] =	sst s5  }
0xe: {  	[smem:$0x3FB3] =	sst s6  }
0xf: {  	[smem:$0x3FB4] =	sst s7  }
0x10: {  	[smem:$0x3FB5] =	sst s8  }
0x11: {  	[smem:$0x3FB6] =	sst s9;
	s0 =	simm.s32 @!p0 $0x0  }
0x12: {  	s1 =	sld [smem:$0x3F9C];
	s0 =	simm.s32 @p0 $0x1  }
0x13: {  	[smem:$0x3FB7] =	sst s0;
	s0 =	simm.s32 @!p1 $0x0  }
0x14: {  	s2 =	sld [smem:$0x3F9B];
	s0 =	simm.s32 @p1 $0x1  }
0x15: {  	[smem:$0x3FB8] =	sst s0;
	s0 =	simm.s32 @!p2 $0x0  }
0x16: {  	s3 =	sld [smem:$0x3FDB];
	s0 =	simm.s32 @p2 $0x1  }
0x17: {  	s4 =	simm.s32 $0x1BF5;
	[smem:$0x3FBA] =	sst s0  }
0x18: {  	s0 =	sld [smem:$0x3F9D];
	_ =	swait.ge [sflag:s4], $0x0  }
0x19: {  	s7 =	sld [smem:$0x3F9E]  }
0x1a: {  	s8 =	sadd.s32 $0xFFFFE003, lr  }
0x1b: {  	s9 =	sadd.s32 $0xFFFFFEF7, lr;
	s5 =	simm.s32 $0xFFFFFFFF;
	p2 =	slt.u32 s8, $0xFFFFF086  }
0x1c: {  	p1 =	slt.u32 s9, $0xF7A;
	s5 =	simm.s32 @!p2 $0x0  }
0x1d: {  	s5 =	simm.s32 @p1 $0x1;
	p0 =	seq.s32 s7, s2  }
0x1e: {  	s7 =	smul.u32 @!p0 $0xF7A, s2;
	p2 =	seq.s32 @!p0 s5, $0x0  }
0x1f: {  	s9 =	smul.u32 $0xF7A, s1;
	s8 =	simm.s32 @!p0 $0x1BF5;
	p2 =	por !p2, p0  }
0x20: {  	[sflag:s8] =	ssyncset.s32 @!p0 $0xFFFFF086;
	s6 =	sadd.s32 @!p0 s3, s7;
	s7 =	simm.s32 @!p0 $0x108  }
0x21: {  	s3 =	sadd.s32 s3, s9;
	s6 =	sadd.s32 @!p0 $0x88, s6;
	s7 =	simm.s32 @p2 $0x1082  }
0x22: {  	[simem:s7], [sflag:s8] =	dma.local @!p0 [hbm:s6], $0xF7A  }
0x23: {  	s9 =	sor.u32 $0xD0000000, s2;
	s6 =	simm.s32 $0x108;
	_ =	swait.ge @!p0 [sflag:s8], $0x0  }
0x24: {  	s3 =	sadd.s32 $0x88, s3;
	s6 =	simm.s32 @!p1 $0x1082;
	[sflag:s4] =	ssyncset.s32 $0xFFFFF086  }
0x25: {  	[simem:s6], [sflag:s4] =	dma.local [hbm:s3], $0xF7A  }
0x26: {  	[smem:$0x3F9E] =	sst s1;
	(tag) =	ssettag s2;
	_ =	strace s9  }
0x27: {  	s1 =	sld [smem:$0x3FAE]  }
0x28: {  	s2 =	sld [smem:$0x3FAF]  }
0x29: {  	s4 =	sld [smem:$0x3FB1]  }
0x2a: {  	p0 =	seq.s32 s5, $0x0;
	s5 =	sld [smem:$0x3FB2]  }
0x2b: {  	s6 =	sld [smem:$0x3FB3]  }
0x2c: {  	s7 =	sld [smem:$0x3FB4]  }
0x2d: {  	s3 =	simm.s32 $0x108;
	s8 =	sld [smem:$0x3FB5]  }
0x2e: {  	s3 =	simm.s32 @!p0 $0x1082;
	s9 =	sld [smem:$0x3FB6]  }
0x2f: {  	lr =	sadd.s32 s0, s3;
	s0 =	sld [smem:$0x3FAD]  }
0x30: {  	s3 =	sld [smem:$0x3FB0]  }
0x31: {  	[smem:$0x3FB9] =	sst s10  }
0x32: {  	s10 =	sld [smem:$0x3FB7];
	_ =	sdelay $0x3  }
0x33: {  	p0 =	seq.s32 s10, $0x1;
	s10 =	sld [smem:$0x3FB9];
	_ =	sdelay $0x3  }
0x34: {  	[smem:$0x3FB9] =	sst s10  }
0x35: {  	s10 =	sld [smem:$0x3FB8];
	_ =	sdelay $0x3  }
0x36: {  	p1 =	seq.s32 s10, $0x1;
	s10 =	sld [smem:$0x3FB9];
	_ =	sdelay $0x3  }
0x37: {  	[smem:$0x3FB9] =	sst s10  }
0x38: {  	s10 =	sld [smem:$0x3FBA]  }
0x39: {  	_ = 	snop;
	(pc) =	sbr.ind lr, $3  }
0x3a: {  	_ = 	snop  }
0x3b: {  	_ = 	snop  }
0x3c: {  	p2 =	seq.s32 s10, $0x1;
	s10 =	sld [smem:$0x3FB9]  }
0x3d: {  	_ =	shalt  }
0x3e: {  	_ =	shalt  }
0x3f: {  	_ =	shalt  }
0x40: {  	_ =	shalt  }
0x41: {  	_ =	shalt  }
0x42: {  	_ =	shalt  }
0x43: {  	_ =	shalt  }
0x44: {  	_ =	shalt  }
0x45: {  	_ =	shalt  }
0x46: {  	_ =	shalt  }
0x47: {  	_ =	shalt  }
0x48: {  	_ =	shalt  }
0x49: {  	_ =	shalt  }
0x4a: {  	_ =	shalt  }
0x4b: {  	_ =	shalt  }
0x4c: {  	_ =	shalt  }
0x4d: {  	_ =	shalt  }
0x4e: {  	_ =	shalt  }
0x4f: {  	_ =	shalt  }
0x50: {  	_ =	shalt  }
0x51: {  	_ =	shalt  }
0x52: {  	_ =	shalt  }
0x53: {  	_ =	shalt  }
0x54: {  	_ =	shalt  }
0x55: {  	_ =	shalt  }
0x56: {  	_ =	shalt  }
0x57: {  	_ =	shalt  }
0x58: {  	_ =	shalt  }
0x59: {  	_ =	shalt  }
0x5a: {  	_ =	shalt  }
0x5b: {  	_ =	shalt  }
0x5c: {  	_ =	shalt  }
0x5d: {  	_ =	shalt  }
0x5e: {  	_ =	shalt  }
0x5f: {  	_ =	shalt  }
0x60: {  	_ =	shalt  }
0x61: {  	_ =	shalt  }
0x62: {  	_ =	shalt  }
0x63: {  	_ =	shalt  }
0x64: {  	_ =	shalt  }
0x65: {  	_ =	shalt  }
0x66: {  	_ =	shalt  }
0x67: {  	_ =	shalt  }
0x68: {  	_ =	shalt  }
0x69: {  	_ =	shalt  }
0x6a: {  	_ =	shalt  }
0x6b: {  	_ =	shalt  }
0x6c: {  	_ =	shalt  }
0x6d: {  	_ =	shalt  }
0x6e: {  	_ =	shalt  }
0x6f: {  	_ =	shalt  }
0x70: {  	_ =	shalt  }
0x71: {  	_ =	shalt  }
0x72: {  	_ =	shalt  }
0x73: {  	_ =	shalt  }
0x74: {  	_ =	shalt  }
0x75: {  	_ =	shalt  }
0x76: {  	_ =	shalt  }
0x77: {  	_ =	shalt  }
0x78: {  	_ =	shalt  }
0x79: {  	_ =	shalt  }
0x7a: {  	_ =	shalt  }
0x7b: {  	_ =	shalt  }
0x7c: {  	_ =	shalt  }
0x7d: {  	_ =	shalt  }
0x7e: {  	_ =	shalt  }
0x7f: {  	_ =	shalt  }
0x80: {  	_ =	shalt  }
0x81: {  	_ =	shalt  }
0x82: {  	_ =	shalt  }
0x83: {  	_ =	shalt  }
0x84: {  	_ =	shalt  }
0x85: {  	_ =	shalt  }
0x86: {  	_ =	shalt  }
0x87: {  	_ =	shalt  }
.Lfunc_end0:
.L_simem_size_0:
called_computation.1_lowered:
.L_overlay_start_0:
0x88: {  	s2 =	sld [smem:$0x3FD9]  }
0x89: {  	s3 =	sld [smem:$0x3FFE];
	_ =	sdelay $0x1  }
0x8a: {  	s1 =	srdreg.scid  }
0x8b: {  	s0 =	sand.u32 $0x1, s1  }
0x8c: {  	s16 =	sshll.u32 s0, $0xA;
	s2 =	sadd.s32 s3, s2  }
0x8d: {  	s2 =	sadd.s32 s2, s16  }
0x8e: {  	[smem:$0x3FC5] =	sst s2  }
0x8f: {  	_ = 	snop  }
0x90: {  	(tm) =	ssettm $0x1  }
0x91: {  	s17 =	sld [smem:$0x3FFB];
	_ =	sdelay $0x3  }
0x92: {  	_ =	strace s17  }
0x93: {  	s2 =	sld [smem:$0x3FFC];
	_ =	sdelay $0x3  }
0x94: {  	_ =	strace s2  }
0x95: {  	s2 =	sld [smem:$0x3FFD];
	_ =	sdelay $0x3  }
0x96: {  	_ =	strace s2  }
0x97: {  	_ =	strace $0x8FFFFFFF  }
0x98: {  	s18 =	sld [smem:$0x3FDB];
	_ =	sdelay $0x1  }
0x99: {  	s19 =	simm.s32 $_scs_section_size  }
0x9a: {  	s4 =	simm.s32 $_size__tile_overlayer_lowered;
	s5 =	simm.s32 $_tile_overlayer_lowered  }
0x9b: {  	s22 =	simm.s32 $0x1BFF;
	s21 =	sshll.u32 s5, $0x1;
	s2 =	sadd.s32 s19, s18  }
0x9c: {  	s6 =	simm.s32 $0x0;
	s20 =	sshll.u32 s4, $0x1;
	s4 =	sadd.s32 s21, s2  }
0x9d: {  	[timem:s6], [sflag:s22] =	dma.local [hbm:s4], s20  }
0x9e: {  	_ =	swait.ge [sflag:s22], s20  }
0x9f: {  	s3 =	ssub.s32 $0x0, s20;
	[sflag:s22] =	ssyncset.done $0x0  }
0xa0: {  	[sflag:s22] =	ssyncadd.s32 s3;
	_ =	sdelay $0x1  }
0xa1: {  	s23 =	simm.s32 $0x1B8B  }
0xa2: {  	_ =	swait.ge [sflag:s23], $0x1  }
0xa3: {  	[sflag:s23] =	ssyncset.done $0x0  }
0xa4: {  	s25 =	simm.s32 $0x1B8E;
	s24 =	sld [smem:$0x3FFE];
	[sflag:s23] =	ssyncadd.s32 $0xFFFFFFFF  }
0xa5: {  	s26 =	simm.s32 $execute0_lowered;
	[smem:$0x3FD2] =	sst s25  }
0xa6: {  	s4 =	sshll.u32 s26, $0x1;
	_ =	strace $0x80000049;
	[dreg:$0x1] =	wrdreg $0xFFFFFFFF  }
0xa7: {  	s28 =	simm.s32 $_size_execute0_lowered;
	s2 =	sadd.s32 s2, s4;
	[dreg:$0x0] =	wrdreg $0x0  }
0xa8: {  	s4 =	sshll.u32 s28, $0x1;
	[dreg:$0x2] =	wrdreg s2  }
0xa9: {  	[dreg:$0x3] =	wrdreg s4  }
0xaa: {  	[dreg:$0x4] =	wrdreg $0xC0  }
0xab: {  	_ =	task [dreg:s6], $0x5FFFF  }
0xac: {  	[dreg:$0x1] =	wrdreg $0xFFFFFFFF  }
0xad: {  	[dreg:$0x0] =	wrdreg $0x60  }
0xae: {  	[dreg:$0x2] =	wrdreg s24  }
0xaf: {  	[dreg:$0x3] =	wrdreg $0x9  }
0xb0: {  	_ =	task.clear_ibuf [dreg:s6], $0x4FFFF;
	_ =	strace $0x90000049  }
0xb1: {  	s29 =	simm.s32 $0x9;
	_ =	strace $0x8000004B  }
0xb2: {  	_ =	swait.ge [sflag:s29], $0x1  }
0xb3: {  	[sflag:s29] =	ssyncadd.s32 $0xFFFFFFFF  }
0xb4: {  	_ =	strace $0x9000004B  }
0xb5: {  	_ =	sfence  }
0xb6: {  	s30 =	sld [smem:$0x0];
	_ =	sdelay $0x2  }
0xb7: {  	s31 =	sshll.u32 s1, $0xD;
	s1 =	sshrl.u32 s1, $0x2  }
0xb8: {  	s3 =	sand.u32 $0x4000, s31;
	s1 =	sadd.s32 s1, s30  }
0xb9: {  	s0 =	sor.u32 s3, s0;
	s1 =	sshll.u32 s1, $0x11  }
0xba: {  	s0 =	sor.u32 s1, s0  }
0xbb: {  	s0 =	sadd.s32 $0x8F2B, s0  }
0xbc: {  	[sflag:s0] =	ssyncadd.remote.s32 $0x1  }
0xbd: {  	_ =	sfence.sel $0xFFFF  }
0xbe: {  	[dreg:$0x0] =	wrdreg $0xFFFFFFFF;
	(pc) =	sbr.abs _section_cstart, $3  }
0xbf: {  	[dreg:$0x1] =	wrdreg $0xFFFFFFFF  }
0xc0: {  	_ =	task.clear_ibuf [dreg:s6], $0x2FFFF;
	_ =	strace $0x9FFFFFFF  }
0xc1: {  	(tm) =	ssettm $0x7FFFFFFF  }
tec
execute0_lowered:
.L_overlay_start_1:
0x0: {  	(tag) =	ssettag $0x1  }
0x1: {  	s3 =	rddreg [dreg:$0x0];
	s4 =	srdreg.scid  }
0x2: {  	s0 =	stileid.u32;
	s2 =	simm.s32 $0x0;
	s22 =	simm.s32 $0x1  }
0x3: {  	s23 =	simm.s32 $0xC400;
	s4 =	sand.u32 $0x1, s4;
	s5 =	sshll.u32 s0, $0x1  }
0x4: {  	s24 =	simm.s32 $0x0;
	[smem:$0x7FF] =	sst s2;
	s5 =	sor.u32 s4, s5  }
0x5: {  	s17 =	sadd.s32 $0x1C0C00, s3;
	s4 =	ssub.s32 $0x2, s4;
	s16 =	smul.u32 $0xC400, s5  }
0x6: {  	s18 =	sadd.s32 $0xC00, s3;
	_ =	strace $0x8000004A;
	s31 =	sshrl.u32 s4, $0x1  }
0x7: {  	s19 =	ssub.s32 s4, s31;
	s3 =	sadd.s32 s17, s16;
	s6 =	sor.u32 $0x10, s16  }
0x8: {  	s4 =	sadd.s32 s18, s16;
	s8 =	sor.u32 $0x20, s16;
	s10 =	sor.u32 $0x30, s16  }
0x9: {  	s12 =	sor.u32 $0x40, s16;
	s14 =	sor.u32 $0x50, s16;
	s20 =	sor.u32 $0x60, s16  }
0xa: {  	s21 =	sor.u32 $0x70, s16;
	s19 =	smax.u32 s19, $0x1;
	s5 =	sadd.s32 s17, s6  }
0xb: {  	s6 =	sadd.s32 s18, s6;
	s7 =	sadd.s32 s17, s8;
	s8 =	sadd.s32 s18, s8  }
0xc: {  	s9 =	sadd.s32 s17, s10;
	s10 =	sadd.s32 s18, s10;
	s11 =	sadd.s32 s17, s12  }
0xd: {  	s12 =	sadd.s32 s18, s12;
	s13 =	sadd.s32 s17, s14;
	s14 =	sadd.s32 s18, s14  }
0xe: {  	s15 =	sadd.s32 s17, s20;
	s16 =	sadd.s32 s18, s20;
	s17 =	sadd.s32 s17, s21  }
0xf: {  	s18 =	sadd.s32 s18, s21;
	s20 =	simm.s32 $0x80;
	s21 =	simm.s32 $0x400  }
.LBB2_1:
0x10: {  	[tilespmem:s2], [sflag:$0x1] =	stream.strided.gather [hbm4b:s3+s20], $0xC400, s21, s20, $0x38;
	[tilespmem:$0x18800] =	vst v63  }
0x11: {  	_ =	swait.ge [sflag:s22], $0xC400  }
0x12: {  	s25 =	simm.s32 $0xFFFFFF20;
	[sflag:s22] =	ssyncset.done $0x0  }
0x13: {  	s26 =	simm.s32 $0x0;
	p0 =	por $0x1, $0x1;
	[sflag:s22] =	ssyncadd.s32 $0xFFFF3C00  }
0x14: {  	s25 =	smov.u32 @p0 s26;
	v0 =	vld [tilespmem:s2+$0x0]  }
0x15: {  	s28 =	simm.s32 $0xE0;
	p0 =	por $0x0, $0x0;
	v1 =	vld [tilespmem:s25+$0x0]  }
0x16: {  	s28 =	smov.u32 @p0 s26  }
0x17: {  	v2 =	vld [tilespmem:s28+$0x0];
	_ =	sdelay $0x2  }
0x18: {  	v0 =	vadd.f32 v0, v1;
	_ =	sdelay $0x1  }
0x19: {  	s29 =	simm.s32 $0x1;
	v0 =	vadd.f32 v2, v0  }
0x1a: {  	s31 =	simm.s32 $0x10;
	p1 =	por $0x1, $0x1;
	s30 =	simm.s32 $0x2  }
0x1b: {  	s26 =	simm.s32 $0xC400;
	s28 =	simm.s32 $0x10;
	s25 =	simm.s32 $0xFFFFFF30;
	[tilespmem:s23+$0x0] =	vst v0  }
.LBB2_2:
0x1c: {  	s0 =	smov.u32 s25  }
0x1d: {  	p0 =	sne.s32 s30, $0xC3F;
	s29 =	sadd.s32 $0xFFFFF3CE, s29;
	v0 =	vld [tilespmem:s28+$0x0];
	s0 =	smov.u32 @p1 s31  }
0x1e: {  	s1 =	sadd.s32 $0x1C0, s25;
	p1 =	slt.u32 s29, $0xE;
	s29 =	smov.u32 s30;
	v1 =	vld [tilespmem:s0+$0x0]  }
0x1f: {  	s1 =	smov.u32 @p1 s31  }
0x20: {  	v2 =	vld [tilespmem:s1+$0x0];
	_ =	sdelay $0x2  }
.Ltmp0:
0x21: {  	v0 =	vadd.f32 v0, v1;
	(pc) =	sbr.rel @p0 .LBB2_2-.Ltmp0, $4  }
0x22: {  	_ = 	snop  }
0x23: {  	v0 =	vadd.f32 v2, v0  }
0x24: {  	s28 =	sadd.s32 $0x10, s28;
	s25 =	sadd.s32 $0x10, s25;
	s26 =	sadd.s32 $0x10, s26  }
0x25: {  	s30 =	sadd.s32 $0x1, s30;
	s31 =	sadd.s32 $0xE0, s25;
	p1 =	slt.u32 s29, $0xE;
	[tilespmem:s26+$0x0] =	vst v0  }
0x26: {  	s0 =	sadd.s32 $0x1C0, s25;
	s1 =	sadd.s32 $0xFFFFF3CE, s29;
	v0 =	vld [tilespmem:s28+$0x0];
	s25 =	smov.u32 @p1 s31  }
0x27: {  	p0 =	slt.u32 s1, $0xE;
	v1 =	vld [tilespmem:s25+$0x0]  }
0x28: {  	s0 =	smov.u32 @p0 s31  }
0x29: {  	v2 =	vld [tilespmem:s0+$0x0];
	_ =	sdelay $0x2  }
0x2a: {  	v0 =	vadd.f32 v0, v1;
	_ =	sdelay $0x1  }
0x2b: {  	v0 =	vadd.f32 v2, v0  }
0x2c: {  	s26 =	sadd.s32 $0x10, s26  }
0x2d: {  	s25 =	simm.s32 $0xC400;
	[tilespmem:s26+$0x0] =	vst v0  }
0x2e: {  	[hbm4b:s4+s20] =	stream.strided.scatter [tilespmem:s25], [sflag:$0x1], $0xC400, s21, s20, $0x38;
	[tilespmem:$0x18800] =	vst v63  }
0x2f: {  	_ =	swait.ge [sflag:s22], $0xC400  }
0x30: {  	[sflag:s22] =	ssyncset.done $0x0  }
0x31: {  	s0 =	simm.s32 $0x0;
	[sflag:s22] =	ssyncadd.s32 $0xFFFF3C00  }
0x32: {  	[tilespmem:s0], [sflag:$0x1] =	stream.strided.gather [hbm4b:s5+s20], $0xC400, s21, s20, $0x38;
	[tilespmem:$0x18800] =	vst v63  }
0x33: {  	_ =	swait.ge [sflag:s22], $0xC400  }
0x34: {  	s1 =	simm.s32 $0xFFFFFF20;
	[sflag:s22] =	ssyncset.done $0x0  }
0x35: {  	p0 =	por $0x1, $0x1;
	s26 =	simm.s32 $0x0;
	[sflag:s22] =	ssyncadd.s32 $0xFFFF3C00  }
0x36: {  	s1 =	smov.u32 @p0 s26;
	v61 =	vld [tilespmem:s0+$0x0]  }
0x37: {  	p0 =	por $0x0, $0x0;
	s0 =	simm.s32 $0xE0;
	v62 =	vld [tilespmem:s1+$0x0]  }
0x38: {  	s0 =	smov.u32 @p0 s26  }
0x39: {  	v63 =	vld [tilespmem:s0+$0x0];
	_ =	sdelay $0x2  }
0x3a: {  	v0 =	vadd.f32 v61, v62;
	_ =	sdelay $0x1  }
0x3b: {  	v0 =	vadd.f32 v63, v0  }
0x3c: {  	s29 =	simm.s32 $0x1;
	s28 =	simm.s32 $0x10;
	p1 =	por $0x1, $0x1  }
0x3d: {  	s30 =	simm.s32 $0x2;
	s31 =	simm.s32 $0x10;
	s26 =	simm.s32 $0xFFFFFF30;
	[tilespmem:s25+$0x0] =	vst v0  }
.LBB2_4:
0x3e: {  	s0 =	smov.u32 s26  }
0x3f: {  	p0 =	sne.s32 s30, $0xC3F;
	s1 =	sadd.s32 $0xFFFFF3CE, s29;
	v0 =	vld [tilespmem:s28+$0x0];
	s0 =	smov.u32 @p1 s31  }
0x40: {  	s29 =	smov.u32 s30;
	p1 =	slt.u32 s1, $0xE;
	s1 =	sadd.s32 $0x1C0, s26;
	v1 =	vld [tilespmem:s0+$0x0]  }
0x41: {  	s1 =	smov.u32 @p1 s31  }
0x42: {  	v2 =	vld [tilespmem:s1+$0x0];
	_ =	sdelay $0x2  }
.Ltmp1:
0x43: {  	v0 =	vadd.f32 v0, v1;
	(pc) =	sbr.rel @p0 .LBB2_4-.Ltmp1, $4  }
0x44: {  	_ = 	snop  }
0x45: {  	v0 =	vadd.f32 v2, v0  }
0x46: {  	s28 =	sadd.s32 $0x10, s28;
	s25 =	sadd.s32 $0x10, s25;
	s26 =	sadd.s32 $0x10, s26  }
0x47: {  	s30 =	sadd.s32 $0x1, s30;
	s31 =	sadd.s32 $0xE0, s26;
	p1 =	slt.u32 s29, $0xE;
	[tilespmem:s25+$0x0] =	vst v0  }
0x48: {  	s0 =	sadd.s32 $0x1C0, s26;
	s1 =	sadd.s32 $0xFFFFF3CE, s29;
	v0 =	vld [tilespmem:s28+$0x0];
	s26 =	smov.u32 @p1 s31  }
0x49: {  	p0 =	slt.u32 s1, $0xE;
	v1 =	vld [tilespmem:s26+$0x0]  }
0x4a: {  	s0 =	smov.u32 @p0 s31  }
0x4b: {  	v2 =	vld [tilespmem:s0+$0x0];
	_ =	sdelay $0x2  }
0x4c: {  	v0 =	vadd.f32 v0, v1;
	_ =	sdelay $0x1  }
0x4d: {  	v0 =	vadd.f32 v2, v0  }
0x4e: {  	s26 =	sadd.s32 $0x10, s25  }
0x4f: {  	s25 =	simm.s32 $0xC400;
	[tilespmem:s26+$0x0] =	vst v0  }
0x50: {  	[hbm4b:s6+s20] =	stream.strided.scatter [tilespmem:s25], [sflag:$0x1], $0xC400, s21, s20, $0x38;
	[tilespmem:$0x18800] =	vst v63  }
0x51: {  	_ =	swait.ge [sflag:s22], $0xC400  }
0x52: {  	[sflag:s22] =	ssyncset.done $0x0  }
0x53: {  	s0 =	simm.s32 $0x0;
	[sflag:s22] =	ssyncadd.s32 $0xFFFF3C00  }
0x54: {  	[tilespmem:s0], [sflag:$0x1] =	stream.strided.gather [hbm4b:s7+s20], $0xC400, s21, s20, $0x38;
	[tilespmem:$0x18800] =	vst v63  }
0x55: {  	_ =	swait.ge [sflag:s22], $0xC400  }
0x56: {  	s1 =	simm.s32 $0xFFFFFF20;
	[sflag:s22] =	ssyncset.done $0x0  }
0x57: {  	p0 =	por $0x1, $0x1;
	s26 =	simm.s32 $0x0;
	[sflag:s22] =	ssyncadd.s32 $0xFFFF3C00  }
0x58: {  	s1 =	smov.u32 @p0 s26;
	v61 =	vld [tilespmem:s0+$0x0]  }
0x59: {  	p0 =	por $0x0, $0x0;
	s0 =	simm.s32 $0xE0;
	v62 =	vld [tilespmem:s1+$0x0]  }
0x5a: {  	s0 =	smov.u32 @p0 s26  }
0x5b: {  	v63 =	vld [tilespmem:s0+$0x0];
	_ =	sdelay $0x2  }
0x5c: {  	v0 =	vadd.f32 v61, v62;
	_ =	sdelay $0x1  }
0x5d: {  	v0 =	vadd.f32 v63, v0  }
0x5e: {  	s29 =	simm.s32 $0x1;
	s28 =	simm.s32 $0x10;
	p1 =	por $0x1, $0x1  }
0x5f: {  	s30 =	simm.s32 $0x2;
	s31 =	simm.s32 $0x10;
	s26 =	simm.s32 $0xFFFFFF30;
	[tilespmem:s25+$0x0] =	vst v0  }
.LBB2_6:
0x60: {  	s0 =	smov.u32 s26  }
0x61: {  	p0 =	sne.s32 s30, $0xC3F;
	s1 =	sadd.s32 $0xFFFFF3CE, s29;
	v0 =	vld [tilespmem:s28+$0x0];
	s0 =	smov.u32 @p1 s31  }
0x62: {  	s29 =	smov.u32 s30;
	p1 =	slt.u32 s1, $0xE;
	s1 =	sadd.s32 $0x1C0, s26;
	v1 =	vld [tilespmem:s0+$0x0]  }
0x63: {  	s1 =	smov.u32 @p1 s31  }
0x64: {  	v2 =	vld [tilespmem:s1+$0x0];
	_ =	sdelay $0x2  }
.Ltmp2:
0x65: {  	v0 =	vadd.f32 v0, v1;
	(pc) =	sbr.rel @p0 .LBB2_6-.Ltmp2, $4  }
0x66: {  	_ = 	snop  }
0x67: {  	v0 =	vadd.f32 v2, v0  }
0x68: {  	s28 =	sadd.s32 $0x10, s28;
	s25 =	sadd.s32 $0x10, s25;
	s26 =	sadd.s32 $0x10, s26  }
0x69: {  	s30 =	sadd.s32 $0x1, s30;
	s31 =	sadd.s32 $0xE0, s26;
	p1 =	slt.u32 s29, $0xE;
	[tilespmem:s25+$0x0] =	vst v0  }
0x6a: {  	s0 =	sadd.s32 $0x1C0, s26;
	s1 =	sadd.s32 $0xFFFFF3CE, s29;
	v0 =	vld [tilespmem:s28+$0x0];
	s26 =	smov.u32 @p1 s31  }
0x6b: {  	p0 =	slt.u32 s1, $0xE;
	v1 =	vld [tilespmem:s26+$0x0]  }
0x6c: {  	s0 =	smov.u32 @p0 s31  }
0x6d: {  	v2 =	vld [tilespmem:s0+$0x0];
	_ =	sdelay $0x2  }
0x6e: {  	v0 =	vadd.f32 v0, v1;
	_ =	sdelay $0x1  }
0x6f: {  	v0 =	vadd.f32 v2, v0  }
0x70: {  	s26 =	sadd.s32 $0x10, s25  }
0x71: {  	s25 =	simm.s32 $0xC400;
	[tilespmem:s26+$0x0] =	vst v0  }
0x72: {  	[hbm4b:s8+s20] =	stream.strided.scatter [tilespmem:s25], [sflag:$0x1], $0xC400, s21, s20, $0x38;
	[tilespmem:$0x18800] =	vst v63  }
0x73: {  	_ =	swait.ge [sflag:s22], $0xC400  }
0x74: {  	[sflag:s22] =	ssyncset.done $0x0  }
0x75: {  	s0 =	simm.s32 $0x0;
	[sflag:s22] =	ssyncadd.s32 $0xFFFF3C00  }
0x76: {  	[tilespmem:s0], [sflag:$0x1] =	stream.strided.gather [hbm4b:s9+s20], $0xC400, s21, s20, $0x38;
	[tilespmem:$0x18800] =	vst v63  }
0x77: {  	_ =	swait.ge [sflag:s22], $0xC400  }
0x78: {  	s1 =	simm.s32 $0xFFFFFF20;
	[sflag:s22] =	ssyncset.done $0x0  }
0x79: {  	p0 =	por $0x1, $0x1;
	s26 =	simm.s32 $0x0;
	[sflag:s22] =	ssyncadd.s32 $0xFFFF3C00  }
0x7a: {  	s1 =	smov.u32 @p0 s26;
	v61 =	vld [tilespmem:s0+$0x0]  }
0x7b: {  	p0 =	por $0x0, $0x0;
	s0 =	simm.s32 $0xE0;
	v62 =	vld [tilespmem:s1+$0x0]  }
0x7c: {  	s0 =	smov.u32 @p0 s26  }
0x7d: {  	v63 =	vld [tilespmem:s0+$0x0];
	_ =	sdelay $0x2  }
0x7e: {  	v0 =	vadd.f32 v61, v62;
	_ =	sdelay $0x1  }
0x7f: {  	v0 =	vadd.f32 v63, v0  }
0x80: {  	s29 =	simm.s32 $0x1;
	s28 =	simm.s32 $0x10;
	p1 =	por $0x1, $0x1  }
0x81: {  	s30 =	simm.s32 $0x2;
	s31 =	simm.s32 $0x10;
	s26 =	simm.s32 $0xFFFFFF30;
	[tilespmem:s25+$0x0] =	vst v0  }
.LBB2_8:
0x82: {  	s0 =	smov.u32 s26  }
0x83: {  	p0 =	sne.s32 s30, $0xC3F;
	s1 =	sadd.s32 $0xFFFFF3CE, s29;
	v0 =	vld [tilespmem:s28+$0x0];
	s0 =	smov.u32 @p1 s31  }
0x84: {  	s29 =	smov.u32 s30;
	p1 =	slt.u32 s1, $0xE;
	s1 =	sadd.s32 $0x1C0, s26;
	v1 =	vld [tilespmem:s0+$0x0]  }
0x85: {  	s1 =	smov.u32 @p1 s31  }
0x86: {  	v2 =	vld [tilespmem:s1+$0x0];
	_ =	sdelay $0x2  }
.Ltmp3:
0x87: {  	v0 =	vadd.f32 v0, v1;
	(pc) =	sbr.rel @p0 .LBB2_8-.Ltmp3, $4  }
0x88: {  	_ = 	snop  }
0x89: {  	v0 =	vadd.f32 v2, v0  }
0x8a: {  	s28 =	sadd.s32 $0x10, s28;
	s25 =	sadd.s32 $0x10, s25;
	s26 =	sadd.s32 $0x10, s26  }
0x8b: {  	s30 =	sadd.s32 $0x1, s30;
	s31 =	sadd.s32 $0xE0, s26;
	p1 =	slt.u32 s29, $0xE;
	[tilespmem:s25+$0x0] =	vst v0  }
0x8c: {  	s0 =	sadd.s32 $0x1C0, s26;
	s1 =	sadd.s32 $0xFFFFF3CE, s29;
	v0 =	vld [tilespmem:s28+$0x0];
	s26 =	smov.u32 @p1 s31  }
0x8d: {  	p0 =	slt.u32 s1, $0xE;
	v1 =	vld [tilespmem:s26+$0x0]  }
0x8e: {  	s0 =	smov.u32 @p0 s31  }
0x8f: {  	v2 =	vld [tilespmem:s0+$0x0];
	_ =	sdelay $0x2  }
0x90: {  	v0 =	vadd.f32 v0, v1;
	_ =	sdelay $0x1  }
0x91: {  	v0 =	vadd.f32 v2, v0  }
0x92: {  	s26 =	sadd.s32 $0x10, s25  }
0x93: {  	s25 =	simm.s32 $0xC400;
	[tilespmem:s26+$0x0] =	vst v0  }
0x94: {  	[hbm4b:s10+s20] =	stream.strided.scatter [tilespmem:s25], [sflag:$0x1], $0xC400, s21, s20, $0x38;
	[tilespmem:$0x18800] =	vst v63  }
0x95: {  	_ =	swait.ge [sflag:s22], $0xC400  }
0x96: {  	[sflag:s22] =	ssyncset.done $0x0  }
0x97: {  	s0 =	simm.s32 $0x0;
	[sflag:s22] =	ssyncadd.s32 $0xFFFF3C00  }
0x98: {  	[tilespmem:s0], [sflag:$0x1] =	stream.strided.gather [hbm4b:s11+s20], $0xC400, s21, s20, $0x38;
	[tilespmem:$0x18800] =	vst v63  }
0x99: {  	_ =	swait.ge [sflag:s22], $0xC400  }
0x9a: {  	s1 =	simm.s32 $0xFFFFFF20;
	[sflag:s22] =	ssyncset.done $0x0  }
0x9b: {  	p0 =	por $0x1, $0x1;
	s26 =	simm.s32 $0x0;
	[sflag:s22] =	ssyncadd.s32 $0xFFFF3C00  }
0x9c: {  	s1 =	smov.u32 @p0 s26;
	v61 =	vld [tilespmem:s0+$0x0]  }
0x9d: {  	p0 =	por $0x0, $0x0;
	s0 =	simm.s32 $0xE0;
	v62 =	vld [tilespmem:s1+$0x0]  }
0x9e: {  	s0 =	smov.u32 @p0 s26  }
0x9f: {  	v63 =	vld [tilespmem:s0+$0x0];
	_ =	sdelay $0x2  }
0xa0: {  	v0 =	vadd.f32 v61, v62;
	_ =	sdelay $0x1  }
0xa1: {  	v0 =	vadd.f32 v63, v0  }
0xa2: {  	s29 =	simm.s32 $0x1;
	s28 =	simm.s32 $0x10;
	p1 =	por $0x1, $0x1  }
0xa3: {  	s30 =	simm.s32 $0x2;
	s31 =	simm.s32 $0x10;
	s26 =	simm.s32 $0xFFFFFF30;
	[tilespmem:s25+$0x0] =	vst v0  }
.LBB2_10:
0xa4: {  	s0 =	smov.u32 s26  }
0xa5: {  	p0 =	sne.s32 s30, $0xC3F;
	s1 =	sadd.s32 $0xFFFFF3CE, s29;
	v0 =	vld [tilespmem:s28+$0x0];
	s0 =	smov.u32 @p1 s31  }
0xa6: {  	s29 =	smov.u32 s30;
	p1 =	slt.u32 s1, $0xE;
	s1 =	sadd.s32 $0x1C0, s26;
	v1 =	vld [tilespmem:s0+$0x0]  }
0xa7: {  	s1 =	smov.u32 @p1 s31  }
0xa8: {  	v2 =	vld [tilespmem:s1+$0x0];
	_ =	sdelay $0x2  }
.Ltmp4:
0xa9: {  	v0 =	vadd.f32 v0, v1;
	(pc) =	sbr.rel @p0 .LBB2_10-.Ltmp4, $4  }
0xaa: {  	_ = 	snop  }
0xab: {  	v0 =	vadd.f32 v2, v0  }
0xac: {  	s28 =	sadd.s32 $0x10, s28;
	s25 =	sadd.s32 $0x10, s25;
	s26 =	sadd.s32 $0x10, s26  }
0xad: {  	s30 =	sadd.s32 $0x1, s30;
	s31 =	sadd.s32 $0xE0, s26;
	p1 =	slt.u32 s29, $0xE;
	[tilespmem:s25+$0x0] =	vst v0  }
0xae: {  	s0 =	sadd.s32 $0x1C0, s26;
	s1 =	sadd.s32 $0xFFFFF3CE, s29;
	v0 =	vld [tilespmem:s28+$0x0];
	s26 =	smov.u32 @p1 s31  }
0xaf: {  	p0 =	slt.u32 s1, $0xE;
	v1 =	vld [tilespmem:s26+$0x0]  }
0xb0: {  	s0 =	smov.u32 @p0 s31  }
0xb1: {  	v2 =	vld [tilespmem:s0+$0x0];
	_ =	sdelay $0x2  }
0xb2: {  	v0 =	vadd.f32 v0, v1;
	_ =	sdelay $0x1  }
0xb3: {  	v0 =	vadd.f32 v2, v0  }
0xb4: {  	s26 =	sadd.s32 $0x10, s25  }
0xb5: {  	s25 =	simm.s32 $0xC400;
	[tilespmem:s26+$0x0] =	vst v0  }
0xb6: {  	[hbm4b:s12+s20] =	stream.strided.scatter [tilespmem:s25], [sflag:$0x1], $0xC400, s21, s20, $0x38;
	[tilespmem:$0x18800] =	vst v63  }
0xb7: {  	_ =	swait.ge [sflag:s22], $0xC400  }
0xb8: {  	[sflag:s22] =	ssyncset.done $0x0  }
0xb9: {  	s0 =	simm.s32 $0x0;
	[sflag:s22] =	ssyncadd.s32 $0xFFFF3C00  }
0xba: {  	[tilespmem:s0], [sflag:$0x1] =	stream.strided.gather [hbm4b:s13+s20], $0xC400, s21, s20, $0x38;
	[tilespmem:$0x18800] =	vst v63  }
0xbb: {  	_ =	swait.ge [sflag:s22], $0xC400  }
0xbc: {  	s1 =	simm.s32 $0xFFFFFF20;
	[sflag:s22] =	ssyncset.done $0x0  }
0xbd: {  	p0 =	por $0x1, $0x1;
	s26 =	simm.s32 $0x0;
	[sflag:s22] =	ssyncadd.s32 $0xFFFF3C00  }
0xbe: {  	s1 =	smov.u32 @p0 s26;
	v61 =	vld [tilespmem:s0+$0x0]  }
0xbf: {  	p0 =	por $0x0, $0x0;
	s0 =	simm.s32 $0xE0;
	v62 =	vld [tilespmem:s1+$0x0]  }
0xc0: {  	s0 =	smov.u32 @p0 s26  }
0xc1: {  	v63 =	vld [tilespmem:s0+$0x0];
	_ =	sdelay $0x2  }
0xc2: {  	v0 =	vadd.f32 v61, v62;
	_ =	sdelay $0x1  }
0xc3: {  	v0 =	vadd.f32 v63, v0  }
0xc4: {  	s29 =	simm.s32 $0x1;
	s28 =	simm.s32 $0x10;
	p1 =	por $0x1, $0x1  }
0xc5: {  	s30 =	simm.s32 $0x2;
	s31 =	simm.s32 $0x10;
	s26 =	simm.s32 $0xFFFFFF30;
	[tilespmem:s25+$0x0] =	vst v0  }
.LBB2_12:
0xc6: {  	s0 =	smov.u32 s26  }
0xc7: {  	p0 =	sne.s32 s30, $0xC3F;
	s1 =	sadd.s32 $0xFFFFF3CE, s29;
	v0 =	vld [tilespmem:s28+$0x0];
	s0 =	smov.u32 @p1 s31  }
0xc8: {  	s29 =	smov.u32 s30;
	p1 =	slt.u32 s1, $0xE;
	s1 =	sadd.s32 $0x1C0, s26;
	v1 =	vld [tilespmem:s0+$0x0]  }
0xc9: {  	s1 =	smov.u32 @p1 s31  }
0xca: {  	v2 =	vld [tilespmem:s1+$0x0];
	_ =	sdelay $0x2  }
.Ltmp5:
0xcb: {  	v0 =	vadd.f32 v0, v1;
	(pc) =	sbr.rel @p0 .LBB2_12-.Ltmp5, $4  }
0xcc: {  	_ = 	snop  }
0xcd: {  	v0 =	vadd.f32 v2, v0  }
0xce: {  	s28 =	sadd.s32 $0x10, s28;
	s25 =	sadd.s32 $0x10, s25;
	s26 =	sadd.s32 $0x10, s26  }
0xcf: {  	s30 =	sadd.s32 $0x1, s30;
	s31 =	sadd.s32 $0xE0, s26;
	p1 =	slt.u32 s29, $0xE;
	[tilespmem:s25+$0x0] =	vst v0  }
0xd0: {  	s0 =	sadd.s32 $0x1C0, s26;
	s1 =	sadd.s32 $0xFFFFF3CE, s29;
	v0 =	vld [tilespmem:s28+$0x0];
	s26 =	smov.u32 @p1 s31  }
0xd1: {  	p0 =	slt.u32 s1, $0xE;
	v1 =	vld [tilespmem:s26+$0x0]  }
0xd2: {  	s0 =	smov.u32 @p0 s31  }
0xd3: {  	v2 =	vld [tilespmem:s0+$0x0];
	_ =	sdelay $0x2  }
0xd4: {  	v0 =	vadd.f32 v0, v1;
	_ =	sdelay $0x1  }
0xd5: {  	v0 =	vadd.f32 v2, v0  }
0xd6: {  	s26 =	sadd.s32 $0x10, s25  }
0xd7: {  	s25 =	simm.s32 $0xC400;
	[tilespmem:s26+$0x0] =	vst v0  }
0xd8: {  	[hbm4b:s14+s20] =	stream.strided.scatter [tilespmem:s25], [sflag:$0x1], $0xC400, s21, s20, $0x38;
	[tilespmem:$0x18800] =	vst v63  }
0xd9: {  	_ =	swait.ge [sflag:s22], $0xC400  }
0xda: {  	[sflag:s22] =	ssyncset.done $0x0  }
0xdb: {  	s0 =	simm.s32 $0x0;
	[sflag:s22] =	ssyncadd.s32 $0xFFFF3C00  }
0xdc: {  	[tilespmem:s0], [sflag:$0x1] =	stream.strided.gather [hbm4b:s15+s20], $0xC400, s21, s20, $0x38;
	[tilespmem:$0x18800] =	vst v63  }
0xdd: {  	_ =	swait.ge [sflag:s22], $0xC400  }
0xde: {  	s1 =	simm.s32 $0xFFFFFF20;
	[sflag:s22] =	ssyncset.done $0x0  }
0xdf: {  	p0 =	por $0x1, $0x1;
	s26 =	simm.s32 $0x0;
	[sflag:s22] =	ssyncadd.s32 $0xFFFF3C00  }
0xe0: {  	s1 =	smov.u32 @p0 s26;
	v61 =	vld [tilespmem:s0+$0x0]  }
0xe1: {  	p0 =	por $0x0, $0x0;
	s0 =	simm.s32 $0xE0;
	v62 =	vld [tilespmem:s1+$0x0]  }
0xe2: {  	s0 =	smov.u32 @p0 s26  }
0xe3: {  	v63 =	vld [tilespmem:s0+$0x0];
	_ =	sdelay $0x2  }
0xe4: {  	v0 =	vadd.f32 v61, v62;
	_ =	sdelay $0x1  }
0xe5: {  	v0 =	vadd.f32 v63, v0  }
0xe6: {  	s29 =	simm.s32 $0x1;
	s28 =	simm.s32 $0x10;
	p1 =	por $0x1, $0x1  }
0xe7: {  	s30 =	simm.s32 $0x2;
	s31 =	simm.s32 $0x10;
	s26 =	simm.s32 $0xFFFFFF30;
	[tilespmem:s25+$0x0] =	vst v0  }
.LBB2_14:
0xe8: {  	s0 =	smov.u32 s26  }
0xe9: {  	p0 =	sne.s32 s30, $0xC3F;
	s1 =	sadd.s32 $0xFFFFF3CE, s29;
	v0 =	vld [tilespmem:s28+$0x0];
	s0 =	smov.u32 @p1 s31  }
0xea: {  	s29 =	smov.u32 s30;
	p1 =	slt.u32 s1, $0xE;
	s1 =	sadd.s32 $0x1C0, s26;
	v1 =	vld [tilespmem:s0+$0x0]  }
0xeb: {  	s1 =	smov.u32 @p1 s31  }
0xec: {  	v2 =	vld [tilespmem:s1+$0x0];
	_ =	sdelay $0x2  }
.Ltmp6:
0xed: {  	v0 =	vadd.f32 v0, v1;
	(pc) =	sbr.rel @p0 .LBB2_14-.Ltmp6, $4  }
0xee: {  	_ = 	snop  }
0xef: {  	v0 =	vadd.f32 v2, v0  }
0xf0: {  	s28 =	sadd.s32 $0x10, s28;
	s25 =	sadd.s32 $0x10, s25;
	s26 =	sadd.s32 $0x10, s26  }
0xf1: {  	s30 =	sadd.s32 $0x1, s30;
	s31 =	sadd.s32 $0xE0, s26;
	p1 =	slt.u32 s29, $0xE;
	[tilespmem:s25+$0x0] =	vst v0  }
0xf2: {  	s0 =	sadd.s32 $0x1C0, s26;
	s1 =	sadd.s32 $0xFFFFF3CE, s29;
	v0 =	vld [tilespmem:s28+$0x0];
	s26 =	smov.u32 @p1 s31  }
0xf3: {  	p0 =	slt.u32 s1, $0xE;
	v1 =	vld [tilespmem:s26+$0x0]  }
0xf4: {  	s0 =	smov.u32 @p0 s31  }
0xf5: {  	v2 =	vld [tilespmem:s0+$0x0];
	_ =	sdelay $0x2  }
0xf6: {  	v0 =	vadd.f32 v0, v1;
	_ =	sdelay $0x1  }
0xf7: {  	v0 =	vadd.f32 v2, v0  }
0xf8: {  	s26 =	sadd.s32 $0x10, s25  }
0xf9: {  	s25 =	simm.s32 $0xC400;
	[tilespmem:s26+$0x0] =	vst v0  }
0xfa: {  	[hbm4b:s16+s20] =	stream.strided.scatter [tilespmem:s25], [sflag:$0x1], $0xC400, s21, s20, $0x38;
	[tilespmem:$0x18800] =	vst v63  }
0xfb: {  	_ =	swait.ge [sflag:s22], $0xC400  }
0xfc: {  	[sflag:s22] =	ssyncset.done $0x0  }
0xfd: {  	s0 =	simm.s32 $0x0;
	[sflag:s22] =	ssyncadd.s32 $0xFFFF3C00  }
0xfe: {  	[tilespmem:s0], [sflag:$0x1] =	stream.strided.gather [hbm4b:s17+s20], $0xC400, s21, s20, $0x38;
	[tilespmem:$0x18800] =	vst v63  }
0xff: {  	_ =	swait.ge [sflag:s22], $0xC400  }
0x100: {  	s1 =	simm.s32 $0xFFFFFF20;
	[sflag:s22] =	ssyncset.done $0x0  }
0x101: {  	p0 =	por $0x1, $0x1;
	s26 =	simm.s32 $0x0;
	[sflag:s22] =	ssyncadd.s32 $0xFFFF3C00  }
0x102: {  	s1 =	smov.u32 @p0 s26;
	v61 =	vld [tilespmem:s0+$0x0]  }
0x103: {  	p0 =	por $0x0, $0x0;
	s0 =	simm.s32 $0xE0;
	v62 =	vld [tilespmem:s1+$0x0]  }
0x104: {  	s0 =	smov.u32 @p0 s26  }
0x105: {  	v63 =	vld [tilespmem:s0+$0x0];
	_ =	sdelay $0x2  }
0x106: {  	v0 =	vadd.f32 v61, v62;
	_ =	sdelay $0x1  }
0x107: {  	v0 =	vadd.f32 v63, v0  }
0x108: {  	s29 =	simm.s32 $0x1;
	s28 =	simm.s32 $0x10;
	p1 =	por $0x1, $0x1  }
0x109: {  	s30 =	simm.s32 $0x2;
	s31 =	simm.s32 $0x10;
	s26 =	simm.s32 $0xFFFFFF30;
	[tilespmem:s25+$0x0] =	vst v0  }
.LBB2_16:
0x10a: {  	s0 =	smov.u32 s26  }
0x10b: {  	p0 =	sne.s32 s30, $0xC3F;
	s1 =	sadd.s32 $0xFFFFF3CE, s29;
	v0 =	vld [tilespmem:s28+$0x0];
	s0 =	smov.u32 @p1 s31  }
0x10c: {  	s29 =	smov.u32 s30;
	p1 =	slt.u32 s1, $0xE;
	s1 =	sadd.s32 $0x1C0, s26;
	v1 =	vld [tilespmem:s0+$0x0]  }
0x10d: {  	s1 =	smov.u32 @p1 s31  }
0x10e: {  	v2 =	vld [tilespmem:s1+$0x0];
	_ =	sdelay $0x2  }
.Ltmp7:
0x10f: {  	v0 =	vadd.f32 v0, v1;
	(pc) =	sbr.rel @p0 .LBB2_16-.Ltmp7, $4  }
0x110: {  	_ = 	snop  }
0x111: {  	v0 =	vadd.f32 v2, v0  }
0x112: {  	s28 =	sadd.s32 $0x10, s28;
	s25 =	sadd.s32 $0x10, s25;
	s26 =	sadd.s32 $0x10, s26  }
0x113: {  	s30 =	sadd.s32 $0x1, s30;
	s31 =	sadd.s32 $0xE0, s26;
	p1 =	slt.u32 s29, $0xE;
	[tilespmem:s25+$0x0] =	vst v0  }
0x114: {  	s0 =	sadd.s32 $0x1C0, s26;
	v0 =	vld [tilespmem:s28+$0x0];
	s1 =	sadd.s32 $0xFFFFF3CE, s29;
	s26 =	smov.u32 @p1 s31  }
0x115: {  	p0 =	slt.u32 s1, $0xE;
	v1 =	vld [tilespmem:s26+$0x0]  }
0x116: {  	s0 =	smov.u32 @p0 s31  }
0x117: {  	v2 =	vld [tilespmem:s0+$0x0];
	_ =	sdelay $0x2  }
0x118: {  	v0 =	vadd.f32 v0, v1;
	_ =	sdelay $0x1  }
0x119: {  	s24 =	sadd.s32 $0x1, s24;
	v0 =	vadd.f32 v2, v0  }
0x11a: {  	s31 =	sadd.s32 $0x10, s25;
	p0 =	sne.s32 s24, s19  }
.Ltmp8:
0x11b: {  	[tilespmem:s31+$0x0] =	vst v0;
	(pc) =	sbr.rel @p0 .LBB2_1-.Ltmp8, $4  }
0x11c: {  	[hbm4b:s18+s20] =	stream.strided.scatter [tilespmem:s23], [sflag:$0x1], $0xC400, s21, s20, $0x38;
	[tilespmem:$0x18800] =	vst v63  }
0x11d: {  	_ =	swait.ge [sflag:s22], $0xC400  }
0x11e: {  	[sflag:s22] =	ssyncset.done $0x0  }
0x11f: {  	[sflag:s22] =	ssyncadd.s32 $0xFFFF3C00  }
0x120: {  	_ =	sfence.sel $0x180000  }
0x121: {  	[bflag:$0x0] =	sbarrier.arrive $0xFFFF  }
0x122: {  	_ =	strace $0x9000004A  }
0x123: {  	s0 =	stileid.u32;
	[bflag:$0x2] =	sbarrier.arrive $0xFFFF  }
0x124: {  	p0 =	sne.s32 s0, $0x0;
	s0 =	rddreg [dreg:$0x1]  }
0x125: {  	s0 =	sadd.s32 @!p0 $0x100000, s0  }
0x126: {  	[sflag:s0] =	ssyncadd.tile.s32 @!p0 $0x1;
	_ =	shalt  }
.Lfunc_end2:
_tile_overlayer_lowered:
.L_overlay_start_2:
0x127: {  	(tag) =	ssettag $0x2  }
0x128: {  	s0 =	rddreg [dreg:$0x0];
	s2 =	stileid.u32  }
0x129: {  	s1 =	rddreg [dreg:$0x1];
	p0 =	sne.s32 s2, $0x0  }
0x12a: {  	s3 =	rddreg [dreg:$0x2];
	[bflag:$0x3] =	sbarrier.arrive $0xFFFF;
	s2 =	simm.s32 @!p0 $0x1C01  }
0x12b: {  	[timem:s3], [sflag:s2] =	dma.local @!p0 [hbm:s0], s1  }
0x12c: {  	s0 =	simm.s32 @!p0 $0x1  }
0x12d: {  	_ =	swait.ge @!p0 [sflag:s0], s1  }
0x12e: {  	s1 =	ssub.s32 @!p0 $0x0, s1;
	[sflag:s0] =	ssyncset.done @!p0 $0x0  }
0x12f: {  	[sflag:s0] =	ssyncadd.s32 @!p0 s1  }
0x130: {  	[bflag:$0x3] =	sbarrier.arrive $0xFFFF  }
0x131: {  	_ =	shalt  }

// kernel: sparse-core-data-format-call.cloned.1.call-start
scs
called_computation_lowered:
.L_overlay_start_0:
0x0: {  	s2 =	sld [smem:$0x3FD9]  }
0x1: {  	s3 =	sld [smem:$0x3FFE];
	_ =	sdelay $0x1  }
0x2: {  	s1 =	srdreg.scid  }
0x3: {  	s0 =	sand.u32 $0x1, s1  }
0x4: {  	s18 =	sshll.u32 s0, $0xA;
	s2 =	sadd.s32 s3, s2  }
0x5: {  	s2 =	sadd.s32 s2, s18  }
0x6: {  	[smem:$0x3FC5] =	sst s2  }
0x7: {  	_ = 	snop  }
0x8: {  	s2 =	sld [smem:$0x3FC9];
	(tm) =	ssettm $0x1  }
0x9: {  	s19 =	sld [smem:$0x3FFB];
	_ =	sdelay $0x3  }
0xa: {  	_ =	strace s19  }
0xb: {  	s3 =	sld [smem:$0x3FFC];
	_ =	sdelay $0x3  }
0xc: {  	_ =	strace s3  }
0xd: {  	s3 =	sld [smem:$0x3FFD];
	_ =	sdelay $0x3  }
0xe: {  	_ =	strace s3  }
0xf: {  	_ =	strace $0x8FFFFFFF  }
0x10: {  	s20 =	sld [smem:$0x3FDB];
	_ =	sdelay $0x1  }
0x11: {  	s4 =	simm.s32 $_scs_section_size  }
0x12: {  	s5 =	simm.s32 $_size__tile_overlayer_lowered;
	s6 =	simm.s32 $_tile_overlayer_lowered  }
0x13: {  	s23 =	simm.s32 $0x1BFF;
	s22 =	sshll.u32 s6, $0x1;
	s3 =	sadd.s32 s4, s20  }
0x14: {  	s7 =	simm.s32 $0x0;
	s21 =	sshll.u32 s5, $0x1;
	s5 =	sadd.s32 s22, s3  }
0x15: {  	[timem:s7], [sflag:s23] =	dma.local [hbm:s5], s21  }
0x16: {  	_ =	swait.ge [sflag:s23], s21  }
0x17: {  	s4 =	ssub.s32 $0x0, s21;
	[sflag:s23] =	ssyncset.done $0x0  }
0x18: {  	[sflag:s23] =	ssyncadd.s32 s4;
	_ =	sdelay $0x1  }
0x19: {  	s24 =	simm.s32 $0x1B8B  }
0x1a: {  	_ =	swait.ge [sflag:s24], $0x1  }
0x1b: {  	[sflag:s24] =	ssyncset.done $0x0  }
0x1c: {  	s26 =	simm.s32 $0x1B8E;
	s25 =	sld [smem:$0x3FFE];
	[sflag:s24] =	ssyncadd.s32 $0xFFFFFFFF  }
0x1d: {  	s27 =	simm.s32 $execute0_lowered;
	[smem:$0x3FD2] =	sst s26  }
0x1e: {  	s5 =	sshll.u32 s27, $0x1;
	_ =	strace $0x80000046;
	[dreg:$0x1] =	wrdreg $0xFFFFFFFF  }
0x1f: {  	s28 =	simm.s32 $_size_execute0_lowered;
	s3 =	sadd.s32 s3, s5;
	[dreg:$0x0] =	wrdreg $0x0  }
0x20: {  	s5 =	sshll.u32 s28, $0x1;
	[dreg:$0x2] =	wrdreg s3  }
0x21: {  	[dreg:$0x3] =	wrdreg s5  }
0x22: {  	[dreg:$0x4] =	wrdreg $0xC0  }
0x23: {  	_ =	task [dreg:s7], $0x5FFFF  }
0x24: {  	[dreg:$0x1] =	wrdreg $0xFFFFFFFF  }
0x25: {  	[dreg:$0x0] =	wrdreg $0x60  }
0x26: {  	[dreg:$0x2] =	wrdreg s2  }
0x27: {  	[dreg:$0x3] =	wrdreg s25  }
0x28: {  	[dreg:$0x4] =	wrdreg $0x9  }
0x29: {  	_ =	task.clear_ibuf [dreg:s7], $0x5FFFF;
	_ =	strace $0x90000046  }
0x2a: {  	s29 =	simm.s32 $0x9;
	_ =	strace $0x80000048  }
0x2b: {  	_ =	swait.ge [sflag:s29], $0x1  }
0x2c: {  	[sflag:s29] =	ssyncadd.s32 $0xFFFFFFFF  }
0x2d: {  	_ =	strace $0x90000048  }
0x2e: {  	_ =	sfence  }
0x2f: {  	s30 =	sld [smem:$0x0];
	_ =	sdelay $0x2  }
0x30: {  	s31 =	sshll.u32 s1, $0xD;
	s1 =	sshrl.u32 s1, $0x2  }
0x31: {  	s3 =	sand.u32 $0x4000, s31;
	s1 =	sadd.s32 s1, s30  }
0x32: {  	s0 =	sor.u32 s3, s0;
	s1 =	sshll.u32 s1, $0x11  }
0x33: {  	s0 =	sor.u32 s1, s0  }
0x34: {  	s0 =	sadd.s32 $0x8F2B, s0  }
0x35: {  	[sflag:s0] =	ssyncadd.remote.s32 $0x1  }
0x36: {  	_ =	sfence.sel $0xFFFF  }
0x37: {  	[dreg:$0x0] =	wrdreg $0xFFFFFFFF;
	(pc) =	sbr.abs _section_cstart, $3  }
0x38: {  	[dreg:$0x1] =	wrdreg $0xFFFFFFFF  }
0x39: {  	_ =	task.clear_ibuf [dreg:s7], $0x2FFFF;
	_ =	strace $0x9FFFFFFF  }
0x3a: {  	(tm) =	ssettm $0x7FFFFFFF  }
0x3b: {  	_ =	shalt  }
tec
execute0_lowered:
.L_overlay_start_1:
0x0: {  	(tag) =	ssettag $0x1  }
0x1: {  	s2 =	rddreg [dreg:$0x0]  }
0x2: {  	s4 =	rddreg [dreg:$0x1]  }
0x3: {  	s1 =	stileid.u32;
	s0 =	rddreg [dreg:$0x2];
	_ =	strace $0x80000047  }
0x4: {  	s5 =	srdreg.scid;
	s8 =	simm.s32 $0x2;
	s14 =	simm.s32 $0x0  }
0x5: {  	p0 =	por $0x0, $0x0;
	s9 =	simm.s32 $0xE000;
	s16 =	simm.s32 $0x0  }
0x6: {  	s15 =	simm.s32 $0x0;
	s10 =	simm.s32 $0x0;
	s3 =	sand.u32 $0x1, s1  }
0x7: {  	s13 =	simm.s32 $0x0;
	s5 =	sshll.u32 s5, $0x4;
	s6 =	ssub.s32 $0x2, s3  }
.Ltmp0:
0x8: {  	s7 =	sshrl.u32 s6, $0x1;
	s6 =	sand.u32 $0x1, s6;
	(pc) =	sbr.rel .LBB1_1-.Ltmp0, $4  }
0x9: {  	s4 =	sadd.s32 $0xC00, s4;
	s5 =	sand.u32 $0x10, s5;
	s6 =	sadd.s32 s6, s7  }
0xa: {  	s31 =	sor.u32 s1, s5;
	s5 =	simm.s32 $0x1;
	s6 =	smul.u32 $0x1C, s6  }
0xb: {  	s12 =	smov.u32 s3;
	s7 =	sshrl.u32 s31, $0x1;
	[sflag:s5] =	ssyncpa.u1 $0x0  }
0xc: {  	[sflag:s8] =	ssyncpa.u1 $0x0;
	s11 =	smov.u32 s7;
	s8 =	sor.u32 $0x1, s6  }
.LBB1_4:
0xd: {  	s22 =	sshll.u32 s16, $0x8;
	s23 =	sshll.u32 s14, $0x3;
	v5 =	vld [tilespmem:s20+$0xFFFFFFD0];
	[tilespmem:s19+$0x2040 ss:$0x81] =	vst.msk $0xffff, v4  }
0xe: {  	s25 =	sshll.u32 s16, $0x7;
	v58 =	vld [tilespmem:s20+$0xFFFFFFE0];
	[tilespmem:s19+$0x2850 ss:$0x81] =	vst.msk $0xffff, v3;
	s22 =	sand.u32 $0xFFFFF800, s22;
	s23 =	sand.u32 $0xFFFFFC00, s23  }
0xf: {  	s21 =	sshra.s32 s21, $0x2;
	v59 =	vld [tilespmem:s20+$0xFFFFFFF0];
	[tilespmem:s19+$0x3060 ss:$0x81] =	vst.msk $0xffff, v2;
	s26 =	sand.u32 $0x300, s25;
	s22 =	sadd.s32 s22, s23  }
0x10: {  	v60 =	vld [tilespmem:s20+$0x0];
	[tilespmem:s19+$0x0 ss:$0x81] =	vst.msk $0xffff, v0;
	s18 =	sadd.s32 s21, s18;
	s22 =	sor.u32 s26, s22  }
0x11: {  	v61 =	vld [tilespmem:s20+$0x10];
	[tilespmem:s18+$0x3870 ss:$0x81] =	vst.msk $0xffff, v1;
	s27 =	sshrl.u32 s22, $0x8  }
0x12: {  	v62 =	vld [tilespmem:s20+$0x20];
	s28 =	smulhi.u32 $0x124924A, s27;
	[tilespmem:s18+$0x810 ss:$0x81] =	vst.msk $0xffff, v5  }
0x13: {  	v63 =	vld [tilespmem:s20+$0xFFFFFFC0];
	s15 =	smul.u32 $0xE0000, s15;
	[tilespmem:s18+$0x1020 ss:$0x81] =	vst.msk $0xffff, v58  }
0x14: {  	s30 =	sand.u32 $0x78, s14;
	s16 =	sand.u32 $0x80, s25;
	[tilespmem:s18+$0x1830 ss:$0x81] =	vst.msk $0xffff, v59;
	s29 =	smul.u32 $0xE0, s28  }
0x15: {  	s31 =	sand.u32 $0x7, s14;
	s16 =	sor.u32 s30, s16;
	[tilespmem:s18+$0x2040 ss:$0x81] =	vst.msk $0xffff, v60  }
0x16: {  	s15 =	sadd.s32 s4, s15;
	s16 =	sshrl.u32 s16, $0x3;
	[tilespmem:s18+$0x2850 ss:$0x81] =	vst.msk $0xffff, v61;
	s19 =	ssub.s32 s27, s29  }
0x17: {  	s14 =	sshll.u32 s31, $0x12;
	s15 =	sadd.s32 s16, s15;
	[tilespmem:s18+$0x3060 ss:$0x81] =	vst.msk $0xffff, v62;
	s19 =	sshll.u32 s19, $0x5  }
0x18: {  	s14 =	sor.u32 $0x80, s14;
	[tilespmem:s18+$0x0 ss:$0x81] =	vst.msk $0xffff, v63;
	s15 =	sadd.s32 s19, s15  }
0x19: {  	[hbm4b:s15+s14] =	stream.strided.scatter [tilespmem:s17], [sflag:$0x2], $0x4000, s9, s14, $0x20;
	[tilespmem:$0x10100] =	vst v63  }
.LBB1_5:
0x1a: {  	s17 =	sadd.s32 $0x80, s10  }
0x1b: {  	s14 =	sadd.s32 $0x10, s11;
	s18 =	smov.u32 s11;
	p2 =	sgt.s32 s17, $0xDF  }
0x1c: {  	s18 =	smov.u32 @p2 s14  }
0x1d: {  	s20 =	smov.u32 s12;
	s14 =	sadd.s32 $0x2, s12;
	p3 =	sgt.s32 s18, $0xDF  }
0x1e: {  	s20 =	smov.u32 @p3 s14  }
0x1f: {  	s17 =	simm.s32 @p2 $0x0;
	p2 =	sgt.s32 s20, $0x1  }
0x20: {  	p1 =	slt.u32 s13, $0x2;
	s20 =	smov.u32 @p2 s3;
	p2 =	sne.s32 s13, s8  }
.Ltmp1:
0x21: {  	s19 =	simm.s32 @!p1 $0x2;
	(pc) =	sbr.rel @!p2 .LBB1_6-.Ltmp1, $4  }
0x22: {  	s16 =	smov.u32 s11;
	s15 =	smov.u32 s12;
	_ =	swait.ge @!p1 [sflag:s19], $0x4000  }
0x23: {  	p0 =	por !p0, !p0;
	[sflag:s19] =	ssyncset.done @!p1 $0x0;
	s18 =	smov.u32 @p3 s7  }
0x24: {  	s14 =	smov.u32 s10;
	[sflag:s19] =	ssyncadd.s32 @!p1 $0xFFFFC000;
	s10 =	smov.u32 s17  }
0x25: {  	s11 =	smov.u32 s18;
	s13 =	sadd.s32 $0x1, s13;
	s12 =	smov.u32 s20  }
.LBB1_1:
0x26: {  	p1 =	sge.u32 s13, s6;
	s19 =	smov.u32 s12;
	s21 =	smov.u32 s11  }
0x27: {  	s31 =	sadd.s32 $0xFFFFFFFF, s13;
	s17 =	sand.u32 @!p1 $0x1FFFFFF, s10;
	p2 =	sgt.s32 @!p1 s12, $0x1  }
0x28: {  	s20 =	sshra.s32 @!p1 s12, $0x1F;
	s22 =	sshra.s32 @!p1 s11, $0x1F;
	s18 =	smulhi.u32 @!p1 $0x2492493, s17  }
0x29: {  	p2 =	por !p2, p1;
	s20 =	sand.u32 @!p1 s20, s12;
	s22 =	sand.u32 @!p1 s22, s11  }
0x2a: {  	s19 =	simm.s32 @p2 $0x1;
	p2 =	sgt.s32 @!p1 s11, $0xDF;
	s20 =	sxor.u32 @!p1 $0xFFFFFFFF, s20  }
0x2b: {  	s18 =	sshrl.u32 @!p1 s18, $0x1;
	p2 =	por !p2, p1;
	s19 =	sadd.s32 @!p1 s20, s19  }
0x2c: {  	s18 =	smul.u32 @!p1 $0xE0, s18;
	s21 =	simm.s32 @p2 $0xDF;
	p2 =	sgt.s32 @!p1 s10, $0x60  }
0x2d: {  	p3 =	sgt.s32 @!p1 s19, $0x0;
	s19 =	sshll.u32 @!p1 s19, $0x7;
	s20 =	ssub.s32 @!p1 s21, s22  }
0x2e: {  	p2 =	por !p2, p1;
	s21 =	smov.u32 s10;
	s22 =	sadd.s32 @!p1 $0xFFFFFF21, s20  }
0x2f: {  	s21 =	simm.s32 @p2 $0x60;
	p2 =	sgt.s32 @!p1 s22, $0x0;
	s22 =	sshra.s32 @!p1 s10, $0x1F  }
0x30: {  	s19 =	ssub.s32 @!p1 $0x80, s19;
	p3 =	por !p3, p1;
	s22 =	sand.u32 @!p1 s22, s10  }
0x31: {  	s20 =	ssub.s32 @!p1 $0xE0, s20;
	p2 =	por !p2, p1;
	s21 =	ssub.s32 @!p1 s21, s22  }
0x32: {  	s19 =	simm.s32 @!p3 $0x0;
	s20 =	simm.s32 @!p2 $0x0;
	s22 =	sadd.s32 @!p1 $0xFFFFFFA0, s21  }
0x33: {  	s17 =	ssub.s32 @!p1 s17, s18;
	s19 =	smul.u32 @!p1 s20, s19;
	p2 =	sgt.s32 @!p1 s22, $0x7F  }
0x34: {  	s20 =	ssub.s32 @!p1 $0xE0, s21;
	s21 =	smul.u32 @!p1 $0xC4000, s12;
	p2 =	por !p2, p1  }
0x35: {  	s18 =	smul.u32 @!p1 $0xE00, s11;
	s22 =	sxor.u32 @!p1 $0xFFFFFFFF, s13;
	s20 =	simm.s32 @!p2 $0x0  }
0x36: {  	s22 =	sshll.u32 @!p1 s22, $0xE;
	s19 =	smul.u32 @!p1 s20, s19;
	s20 =	sadd.s32 @!p1 s2, s21  }
0x37: {  	s17 =	sshll.u32 @!p1 s17, $0x4;
	s21 =	sand.u32 @!p1 $0x4000, s22;
	s18 =	sadd.s32 @!p1 s18, s20  }
0x38: {  	s19 =	sand.u32 @!p1 $0x3FFFFF80, s19;
	s17 =	sadd.s32 @!p1 s17, s18;
	s18 =	simm.s32 @!p1 $0x0  }
0x39: {  	[tilespmem:s21], [sflag:$0x1] =	stream.linear.gather @!p1 [hbm4b:s17+s18], s19, $0x38;
	[tilespmem:$0x10100] =	vst v63  }
0x3a: {  	p1 =	sge.u32 s31, s6  }
.Ltmp2:
0x3b: {  	_ = 	snop;
	(pc) =	sbr.rel @p1 .LBB1_5-.Ltmp2, $1  }
0x3c: {  	_ =	sdelay $0x3  }
0x3d: {  	p1 =	sgt.s32 s15, $0x1  }
0x3e: {  	s17 =	smov.u32 s15;
	s18 =	sshra.s32 s15, $0x1F;
	s19 =	smov.u32 s16  }
0x3f: {  	s20 =	sshra.s32 s16, $0x1F;
	p2 =	sgt.s32 s14, $0x60;
	s21 =	sshra.s32 s14, $0x1F  }
0x40: {  	s17 =	simm.s32 @!p1 $0x1;
	s18 =	sand.u32 s18, s15;
	p1 =	sgt.s32 s16, $0xDF  }
0x41: {  	s25 =	sand.u32 s20, s16;
	s18 =	sxor.u32 $0xFFFFFFFF, s18;
	s19 =	simm.s32 @!p1 $0xDF  }
0x42: {  	s27 =	sand.u32 s21, s14;
	s17 =	sadd.s32 s18, s17;
	s18 =	ssub.s32 s19, s25  }
0x43: {  	s19 =	smov.u32 s14;
	p1 =	sgt.s32 s17, $0x0;
	s26 =	sadd.s32 $0xFFFFFF21, s18  }
0x44: {  	s19 =	simm.s32 @!p2 $0x60;
	s17 =	sshll.u32 s17, $0x7;
	s18 =	ssub.s32 $0xE0, s18  }
0x45: {  	p2 =	sgt.s32 s26, $0x0;
	s19 =	ssub.s32 s19, s27;
	s17 =	ssub.s32 $0x80, s17  }
0x46: {  	s18 =	simm.s32 @p2 $0x0;
	s20 =	sadd.s32 $0xFFFFFFA0, s19;
	s17 =	simm.s32 @p1 $0x0  }
0x47: {  	s19 =	ssub.s32 $0xE0, s19;
	p1 =	sgt.s32 s20, $0x7F;
	s17 =	smul.u32 s18, s17  }
0x48: {  	s19 =	simm.s32 @p1 $0x0  }
0x49: {  	s17 =	smul.u32 s19, s17;
	_ =	sdelay $0x1  }
0x4a: {  	s18 =	simm.s32 $0x1;
	s17 =	sand.u32 $0x3FFFFF80, s17  }
0x4b: {  	s18 =	simm.s32 @!p0 $0x0;
	_ =	swait.ge [sflag:s5], s17  }
0x4c: {  	s28 =	sshll.u32 s18, $0xE;
	s17 =	ssub.s32 $0x0, s17;
	[sflag:s5] =	ssyncset.done $0x0  }
0x4d: {  	s29 =	sor.u32 $0x40, s28;
	[sflag:s5] =	ssyncadd.s32 s17  }
0x4e: {  	s30 =	smul.u32 $0x10200, s18;
	v0 =	vld [tilespmem:s29+$0x30]  }
0x4f: {  	v1 =	vld [tilespmem:s29+$0xFFFFFFD0]  }
0x50: {  	s17 =	sshrl.u32 s30, $0x2;
	v5 =	vld [tilespmem:s29+$0xFFFFFFE0]  }
0x51: {  	s18 =	sor.u32 $0x8000, s17;
	v6 =	vld [tilespmem:s29+$0xFFFFFFF0]  }
0x52: {  	s31 =	sand.u32 $0x1, s13;
	v4 =	vld [tilespmem:s29+$0x0];
	s19 =	sadd.s32 $0x0, s18  }
0x53: {  	s17 =	smul.u32 $0x10200, s31;
	v3 =	vld [tilespmem:s29+$0x10];
	[tilespmem:s19+$0x3870 ss:$0x81] =	vst.msk $0xffff, v0  }
0x54: {  	v2 =	vld [tilespmem:s29+$0x20];
	[tilespmem:s19+$0x810 ss:$0x81] =	vst.msk $0xffff, v1  }
0x55: {  	s20 =	sadd.s32 $0x80, s29;
	s17 =	sshrl.u32 s17, $0x2;
	v0 =	vld [tilespmem:s29+$0xFFFFFFC0];
	[tilespmem:s19+$0x1020 ss:$0x81] =	vst.msk $0xffff, v5  }
0x56: {  	s22 =	simm.s32 $0x8;
	s21 =	simm.s32 $0x4;
	s17 =	sor.u32 $0x8000, s17;
	v1 =	vld [tilespmem:s20+$0x30];
	[tilespmem:s19+$0x1830 ss:$0x81] =	vst.msk $0xffff, v6  }
.LBB1_3:
0x57: {  	p1 =	sne.s32 s22, $0x1FC;
	v5 =	vld [tilespmem:s20+$0xFFFFFFD0];
	[tilespmem:s19+$0x2040 ss:$0x81] =	vst.msk $0xffff, v4  }
0x58: {  	v6 =	vld [tilespmem:s20+$0xFFFFFFE0];
	[tilespmem:s19+$0x2850 ss:$0x81] =	vst.msk $0xffff, v3  }
0x59: {  	s23 =	sshra.s32 s21, $0x2;
	s21 =	smov.u32 s22;
	v7 =	vld [tilespmem:s20+$0xFFFFFFF0];
	[tilespmem:s19+$0x3060 ss:$0x81] =	vst.msk $0xffff, v2  }
.Ltmp3:
0x5a: {  	v4 =	vld [tilespmem:s20+$0x0];
	[tilespmem:s19+$0x0 ss:$0x81] =	vst.msk $0xffff, v0;
	s19 =	sadd.s32 s23, s18;
	(pc) =	sbr.rel @p1 .LBB1_3-.Ltmp3, $4  }
0x5b: {  	v3 =	vld [tilespmem:s20+$0x10];
	[tilespmem:s19+$0x3870 ss:$0x81] =	vst.msk $0xffff, v1  }
0x5c: {  	[tilespmem:s19+$0x810 ss:$0x81] =	vst.msk $0xffff, v5;
	v2 =	vld [tilespmem:s20+$0x20]  }
0x5d: {  	v0 =	vld [tilespmem:s20+$0xFFFFFFC0];
	[tilespmem:s19+$0x1020 ss:$0x81] =	vst.msk $0xffff, v6;
	s20 =	sadd.s32 $0x80, s20  }
0x5e: {  	s22 =	sadd.s32 $0x4, s22;
	v1 =	vld [tilespmem:s20+$0x30];
	[tilespmem:s19+$0x1830 ss:$0x81] =	vst.msk $0xffff, v7  }
.Ltmp4:
0x5f: {  	_ = 	snop;
	(pc) =	sbr.rel .LBB1_4-.Ltmp4, $1  }
0x60: {  	_ =	sdelay $0x3  }
.LBB1_6:
0x61: {  	_ =	sfence.sel $0x180000  }
0x62: {  	s2 =	simm.s32 $0x1;
	[bflag:$0x0] =	sbarrier.arrive $0xFFFF  }
0x63: {  	s31 =	simm.s32 $0x2;
	[sflag:s2] =	ssyncpa.u1 $0x1  }
0x64: {  	[sflag:s31] =	ssyncpa.u1 $0x1  }
0x65: {  	p0 =	sne.s32 s1, $0x0;
	_ =	strace $0x90000047  }
0x66: {  	s0 =	sadd.s32 @!p0 $0x100000, s0;
	[bflag:$0x2] =	sbarrier.arrive $0xFFFF  }
0x67: {  	[sflag:s0] =	ssyncadd.tile.s32 @!p0 $0x1;
	_ =	shalt  }
.Lfunc_end1:
_tile_overlayer_lowered:
.L_overlay_start_2:
0x68: {  	(tag) =	ssettag $0x2  }
0x69: {  	s0 =	rddreg [dreg:$0x0];
	s2 =	stileid.u32  }
0x6a: {  	s1 =	rddreg [dreg:$0x1];
	p0 =	sne.s32 s2, $0x0  }
0x6b: {  	s3 =	rddreg [dreg:$0x2];
	[bflag:$0x3] =	sbarrier.arrive $0xFFFF;
	s2 =	simm.s32 @!p0 $0x1C01  }
0x6c: {  	[timem:s3], [sflag:s2] =	dma.local @!p0 [hbm:s0], s1  }
0x6d: {  	s0 =	simm.s32 @!p0 $0x1  }
0x6e: {  	_ =	swait.ge @!p0 [sflag:s0], s1  }
0x6f: {  	s1 =	ssub.s32 @!p0 $0x0, s1;
	[sflag:s0] =	ssyncset.done @!p0 $0x0  }
0x70: {  	[sflag:s0] =	ssyncadd.s32 @!p0 s1  }
0x71: {  	[bflag:$0x3] =	sbarrier.arrive $0xFFFF  }
0x72: {  	_ =	shalt  }

</sc_bundles>
